<compile_context>
chip_gen: v7x
topology: tpu7x:2x2x1
jax: 0.10.2.dev20260603
libtpu: 0.0.44.dev20260713+nightly
codegen_flags: <defaults>
</compile_context>

<pallas_src>
import jax
import jax.numpy as jnp
from jax import lax
from jax.experimental import pallas as pl
from jax.experimental.pallas import tpu as pltpu
from jax.experimental.pallas import tpu_sc as plsc

B, P, L = 16384, 128, 100
NC, NS, LANES = 2, 16, 16
NW = NC * NS

BT = 12288
BS = 4096
NBLK = BT // BS

BSC = B - BT
BPW = BSC // NW
GROUPS = BPW // LANES
UNROLL = 8
Q = 2


def _sc_body(logits_hbm, label_hbm, tbl_hbm, out_hbm, x_v, lbl_v, tbl_v, tot_v,
             tbl_spm, sem0, sem1, sem_l):
    c = lax.axis_index("c")
    s = lax.axis_index("s")
    wid = c * NS + s
    base = BT + wid * BPW
    chunk = BPW * P // Q

    sems = [sem0, sem1]
    cps = [
        pltpu.async_copy(
            logits_hbm.at[pl.ds(base * P + q * chunk, chunk)],
            x_v.at[pl.ds(q * chunk, chunk)], sems[q])
        for q in range(Q)
    ]
    cl = pltpu.async_copy(label_hbm.at[pl.ds(base, BPW)], lbl_v, sem_l)

    @pl.when(s == 0)
    def _():
        pltpu.sync_copy(tbl_hbm, tbl_spm)

    plsc.subcore_barrier()
    pltpu.sync_copy(tbl_spm, tbl_v)

    lane = lax.iota(jnp.int32, LANES)
    zero = jnp.zeros((LANES,), jnp.float32)

    def group_body(g, tot):
        lbl = lbl_v[pl.ds(g * LANES, LANES)]
        xb = g * (LANES * P) + lane * (P + 1)
        mb = lbl * P + lane

        @plsc.parallel_loop(0, (P - LANES) // UNROLL,
                            carry=((zero,) * UNROLL, xb, mb))
        def loop_a(_, carry):
            accs, ix, im = carry
            accs = list(accs)
            for u in range(UNROLL):
                xv = plsc.load_gather(x_v, [ix + u])
                mv = plsc.load_gather(tbl_v, [im + u])
                d = xv - mv
                accs[u] = accs[u] + d * d
            return tuple(accs), ix + UNROLL, im + UNROLL

        accs, ix, im = loop_a
        accs = list(accs)

        xrow = g * (LANES * P) + lane * P
        for u in range(LANES):
            fu = (lane + (P - LANES) + u) & (P - 1)
            xv = plsc.load_gather(x_v, [xrow + fu])
            mv = plsc.load_gather(tbl_v, [lbl * P + fu])
            d = xv - mv
            accs[u % UNROLL] = accs[u % UNROLL] + d * d

        s0 = (accs[0] + accs[1]) + (accs[2] + accs[3])
        s1 = (accs[4] + accs[5]) + (accs[6] + accs[7])
        ss = s0 + s1

        xc = jnp.maximum(ss, jnp.float32(1e-30))
        yi = jnp.int32(0x5F3759DF) - lax.shift_right_logical(
            lax.bitcast_convert_type(xc, jnp.int32), 1)
        y = lax.bitcast_convert_type(yi, jnp.float32)
        for _ in range(3):
            y = y * (jnp.float32(1.5) - jnp.float32(0.5) * xc * y * y)
        return tot + xc * y

    cl.wait()
    tot = zero
    gq = GROUPS // Q
    for q in range(Q):
        cps[q].wait()
        tot = lax.fori_loop(q * gq, (q + 1) * gq, group_body, tot)
    tot_v[...] = tot
    pltpu.sync_copy(tot_v, out_hbm.at[pl.ds(wid * LANES, LANES)])


def _tc_norm_body(lbl_ref, x_ref, mean_ref, o_ref):
    i = pl.program_id(0)
    lbl = lbl_ref[0, 0, :]
    oh = (lbl[:, None]
          == lax.broadcasted_iota(jnp.int32, (BS, L), 1)).astype(jnp.float32)
    g = jnp.dot(oh, mean_ref[...], preferred_element_type=jnp.float32)
    d = x_ref[...] - g
    ss = jnp.dot(d * d, jnp.ones((P, 1), jnp.float32),
                 preferred_element_type=jnp.float32)
    nrm = jnp.sqrt(ss)

    @pl.when(i == 0)
    def _():
        o_ref[0, 0] = 0.0

    o_ref[0, 0] += jnp.sum(nrm)


def _tc_finish_body(x_ref, t_ref, o_ref):
    o_ref[0, 0] = (jnp.sum(x_ref[...]) + t_ref[0, 0]) * (1.0 / B)


@jax.jit
def kernel(logits, label, mean_expand):
    label = label.astype(jnp.int32)

    sc = pl.kernel(
        _sc_body,
        out_type=jax.ShapeDtypeStruct((NW * LANES,), jnp.float32),
        mesh=plsc.VectorSubcoreMesh(core_axis_name="c", subcore_axis_name="s"),
        compiler_params=pltpu.CompilerParams(needs_layout_passes=False),
        scratch_types=[
            pltpu.VMEM((BPW * P,), jnp.float32),
            pltpu.VMEM((BPW,), jnp.int32),
            pltpu.VMEM((L * P,), jnp.float32),
            pltpu.VMEM((LANES,), jnp.float32),
            pltpu.VMEM_SHARED((L * P,), jnp.float32),
            pltpu.SemaphoreType.DMA,
            pltpu.SemaphoreType.DMA,
            pltpu.SemaphoreType.DMA,
        ],
    )
    sc_partials = sc(logits.reshape(B * P), label, mean_expand.reshape(L * P))

    tc_partial = pl.pallas_call(
        _tc_norm_body,
        grid=(NBLK,),
        in_specs=[
            pl.BlockSpec((1, 1, BS), lambda i: (i, 0, 0)),
            pl.BlockSpec((BS, P), lambda i: (i, 0)),
            pl.BlockSpec((L, P), lambda i: (0, 0)),
        ],
        out_specs=pl.BlockSpec(memory_space=pltpu.SMEM),
        out_shape=jax.ShapeDtypeStruct((1, 1), jnp.float32),
    )(label.reshape(B // BS, 1, BS), logits, mean_expand)

    loss = pl.pallas_call(
        _tc_finish_body,
        in_specs=[
            pl.BlockSpec((4, P), lambda: (0, 0)),
            pl.BlockSpec(memory_space=pltpu.SMEM),
        ],
        out_shape=jax.ShapeDtypeStruct((1, 1), jnp.float32),
        out_specs=pl.BlockSpec(memory_space=pltpu.SMEM),
    )(sc_partials.reshape(4, P), tc_partial)
    return loss[0, 0]

# --- scband reference (transcript-rebuilt; emitter-appended) ---
"""Pipeline reference for scband-mmc-loss-11192684773845 (READ-ONLY COPY).

The authoritative reference and input builder live on the scoring server;
editing this copy changes nothing except your own understanding.
"""

import jax, jax.numpy as jnp
import numpy as np


def _generate_opt_means(C, p, L):
    opt_means = np.zeros((L, p))
    opt_means[0][0] = 1
    for i in range(1, L):
        for j in range(i):
            opt_means[i][j] = -(1 / (L - 1) + np.dot(opt_means[i], opt_means[j])) / opt_means[j][j]
        opt_means[i][i] = np.sqrt(1 - np.linalg.norm(opt_means[i]) ** 2)
    opt_means = C * opt_means
    return opt_means


def setup_inputs(seed: int = 0) -> dict:
    key = jax.random.key(seed)
    k1, k2 = jax.random.split(key)
    B, P, L = 16384, 128, 100
    logits = jax.random.normal(k1, (B, P), dtype=jnp.float32)
    label = jax.random.randint(k2, (B,), 0, L, dtype=jnp.int64)
    mean_expand = jnp.asarray(_generate_opt_means(1.0, P, L), dtype=jnp.float32)
    return {"logits": logits, "label": label, "mean_expand": mean_expand}


def reference(logits, label, mean_expand):
    # gather class means per-sample (SparseCore-friendly gather), then L2 norm + mean
    gathered = jnp.take(mean_expand, label, axis=0)
    diff = logits - gathered
    per_sample = jnp.sqrt(jnp.sum(diff * diff, axis=1))
    return jnp.mean(per_sample, axis=0)

if __name__ == "__main__":
    import jax
    _d = setup_inputs()
    print(jax.jit(kernel)(*tuple(_d.values())))

</pallas_src>

<mosaic_0001>
#map = affine_map<(d0, d1) -> (0)>
module attributes {stable_mosaic.version = 14 : i64} {
  func.func @_sc_body(%arg0: i32, %arg1: i32, %arg2: memref<2097152xf32, #tpu.memory_space<hbm>>, %arg3: memref<16384xi32, #tpu.memory_space<hbm>>, %arg4: memref<12800xf32, #tpu.memory_space<hbm>>, %arg5: memref<512xf32, #tpu.memory_space<hbm>>, %arg6: memref<16384xf32, #tpu.memory_space<vmem>>, %arg7: memref<128xi32, #tpu.memory_space<vmem>>, %arg8: memref<12800xf32, #tpu.memory_space<vmem>>, %arg9: memref<16xf32, #tpu.memory_space<vmem>>, %arg10: memref<12800xf32, #tpu.memory_space<vmem_shared>>, %arg11: memref<!tpu.dma_semaphore, #tpu.memory_space<semaphore_mem>>, %arg12: memref<!tpu.dma_semaphore, #tpu.memory_space<semaphore_mem>>, %arg13: memref<!tpu.dma_semaphore, #tpu.memory_space<semaphore_mem>>) attributes {dimension_semantics = [#tpu.dimension_semantics<core_parallel>, #tpu.dimension_semantics<subcore_parallel>], iteration_bounds = array<i64: 2, 16>, scalar_prefetch = 0 : i64, scratch_operands = 8 : i64, tpu.core_type = #tpu.core_type<sc_vector_subcore>, window_params = [{transform_indices = #map}, {transform_indices = #map}, {transform_indices = #map}, {transform_indices = #map}]} {
    %mul3A = arith.constant 16 : i32
    %mul3A_0 = arith.muli %arg0, %mul3A : i32
    %add3A = arith.addi %mul3A_0, %arg1 : i32
    %mul3A_1 = arith.constant 128 : i32
    %mul3A_2 = arith.muli %add3A, %mul3A_1 : i32
    %add3A_3 = arith.constant 12288 : i32
    %add3A_4 = arith.addi %add3A_3, %mul3A_2 : i32
    %mul3A_5 = arith.constant 128 : i32
    %mul3A_6 = arith.muli %add3A_4, %mul3A_5 : i32
    %add3A_7 = arith.constant 0 : i32
    %add3A_8 = arith.addi %mul3A_6, %add3A_7 : i32
    %dma_start3A = arith.constant 0 : i32
    %dma_start3A_9 = tpu.memref_slice %arg6[%dma_start3A] : memref<16384xf32, #tpu.memory_space<vmem>> -> memref<8192xf32, #tpu.memory_space<vmem>>
    %dma_start3A_10 = tpu.memref_slice %arg2[%add3A_8] : memref<2097152xf32, #tpu.memory_space<hbm>> -> memref<8192xf32, #tpu.memory_space<hbm>>
    %dma_start3A_11 = arith.constant 0 : i32
    %dma_start3A_12 = tpu.memref_slice %arg6[%dma_start3A_11] : memref<16384xf32, #tpu.memory_space<vmem>> -> memref<8192xf32, #tpu.memory_space<vmem>>
    %dma_start3A_13 = tpu.memref_slice %arg2[%add3A_8] : memref<2097152xf32, #tpu.memory_space<hbm>> -> memref<8192xf32, #tpu.memory_space<hbm>>
    tpu.enqueue_dma source(%dma_start3A_13 : memref<8192xf32, #tpu.memory_space<hbm>>) target(%dma_start3A_12 : memref<8192xf32, #tpu.memory_space<vmem>>) target_semaphore(%arg11 : memref<!tpu.dma_semaphore, #tpu.memory_space<semaphore_mem>>)
    %mul3A_14 = arith.constant 128 : i32
    %mul3A_15 = arith.muli %add3A_4, %mul3A_14 : i32
    %add3A_16 = arith.constant 8192 : i32
    %add3A_17 = arith.addi %mul3A_15, %add3A_16 : i32
    %dma_start3A_18 = arith.constant 8192 : i32
    %dma_start3A_19 = tpu.memref_slice %arg6[%dma_start3A_18] : memref<16384xf32, #tpu.memory_space<vmem>> -> memref<8192xf32, #tpu.memory_space<vmem>>
    %dma_start3A_20 = tpu.memref_slice %arg2[%add3A_17] : memref<2097152xf32, #tpu.memory_space<hbm>> -> memref<8192xf32, #tpu.memory_space<hbm>>
    %dma_start3A_21 = arith.constant 8192 : i32
    %dma_start3A_22 = tpu.memref_slice %arg6[%dma_start3A_21] : memref<16384xf32, #tpu.memory_space<vmem>> -> memref<8192xf32, #tpu.memory_space<vmem>>
    %dma_start3A_23 = tpu.memref_slice %arg2[%add3A_17] : memref<2097152xf32, #tpu.memory_space<hbm>> -> memref<8192xf32, #tpu.memory_space<hbm>>
    tpu.enqueue_dma source(%dma_start3A_23 : memref<8192xf32, #tpu.memory_space<hbm>>) target(%dma_start3A_22 : memref<8192xf32, #tpu.memory_space<vmem>>) target_semaphore(%arg12 : memref<!tpu.dma_semaphore, #tpu.memory_space<semaphore_mem>>)
    %dma_start3A_24 = tpu.memref_slice %arg3[%add3A_4] : memref<16384xi32, #tpu.memory_space<hbm>> -> memref<128xi32, #tpu.memory_space<hbm>>
    %dma_start3A_25 = tpu.memref_slice %arg3[%add3A_4] : memref<16384xi32, #tpu.memory_space<hbm>> -> memref<128xi32, #tpu.memory_space<hbm>>
    tpu.enqueue_dma source(%dma_start3A_25 : memref<128xi32, #tpu.memory_space<hbm>>) target(%arg7 : memref<128xi32, #tpu.memory_space<vmem>>) target_semaphore(%arg13 : memref<!tpu.dma_semaphore, #tpu.memory_space<semaphore_mem>>)
    %eq3A = arith.constant 0 : i32
    %eq3A_26 = arith.cmpi eq, %arg1, %eq3A : i32
    %convert_element_type3A = arith.extui %eq3A_26 : i1 to i32
    %cond3A = arith.constant 0 : i32
    %cond3A_27 = arith.cmpi ne, %convert_element_type3A, %cond3A : i32
    scf.if %cond3A_27 {
      "tpu.region"() ({
        %run_scoped3A = tpu.sem_alloc : memref<!tpu.dma_semaphore, #tpu.memory_space<semaphore_mem>>
        tpu.enqueue_dma source(%arg4 : memref<12800xf32, #tpu.memory_space<hbm>>) target(%arg10 : memref<12800xf32, #tpu.memory_space<vmem_shared>>) target_semaphore(%run_scoped3A : memref<!tpu.dma_semaphore, #tpu.memory_space<semaphore_mem>>)
        tpu.wait_dma2 semaphore(%run_scoped3A : memref<!tpu.dma_semaphore, #tpu.memory_space<semaphore_mem>>) src(%arg4 : memref<12800xf32, #tpu.memory_space<hbm>>) dst(%arg10 : memref<12800xf32, #tpu.memory_space<vmem_shared>>)
        tpu.yield
      }) : () -> ()
    } else {
    }
    %barrier3A = arith.constant 0 : index
    tpu.barrier barrier_id(%barrier3A)
    "tpu.region"() ({
      %run_scoped3A = tpu.sem_alloc : memref<!tpu.dma_semaphore, #tpu.memory_space<semaphore_mem>>
      tpu.enqueue_dma source(%arg10 : memref<12800xf32, #tpu.memory_space<vmem_shared>>) target(%arg8 : memref<12800xf32, #tpu.memory_space<vmem>>) target_semaphore(%run_scoped3A : memref<!tpu.dma_semaphore, #tpu.memory_space<semaphore_mem>>)
      tpu.wait_dma2 semaphore(%run_scoped3A : memref<!tpu.dma_semaphore, #tpu.memory_space<semaphore_mem>>) src(%arg10 : memref<12800xf32, #tpu.memory_space<vmem_shared>>) dst(%arg8 : memref<12800xf32, #tpu.memory_space<vmem>>)
      tpu.yield
    }) : () -> ()
    %iota3A = tpu.iota {dimensions = array<i32: 0>} : vector<16xi32>
    %broadcast_in_dim3A = arith.constant 0.000000e+00 : f32
    %broadcast_in_dim3A_28 = vector.broadcast %broadcast_in_dim3A : f32 to vector<16xf32>
    %dma_wait3A = tpu.memref_slice %arg3[%add3A_4] : memref<16384xi32, #tpu.memory_space<hbm>> -> memref<128xi32, #tpu.memory_space<hbm>>
    %dma_wait3A_29 = tpu.memref_slice %arg3[%add3A_4] : memref<16384xi32, #tpu.memory_space<hbm>> -> memref<128xi32, #tpu.memory_space<hbm>>
    tpu.wait_dma2 semaphore(%arg13 : memref<!tpu.dma_semaphore, #tpu.memory_space<semaphore_mem>>) src(%dma_wait3A_29 : memref<128xi32, #tpu.memory_space<hbm>>) dst(%arg7 : memref<128xi32, #tpu.memory_space<vmem>>)
    %dma_wait3A_30 = arith.constant 0 : i32
    %dma_wait3A_31 = tpu.memref_slice %arg6[%dma_wait3A_30] : memref<16384xf32, #tpu.memory_space<vmem>> -> memref<8192xf32, #tpu.memory_space<vmem>>
    %dma_wait3A_32 = tpu.memref_slice %arg2[%add3A_8] : memref<2097152xf32, #tpu.memory_space<hbm>> -> memref<8192xf32, #tpu.memory_space<hbm>>
    %dma_wait3A_33 = arith.constant 0 : i32
    %dma_wait3A_34 = tpu.memref_slice %arg6[%dma_wait3A_33] : memref<16384xf32, #tpu.memory_space<vmem>> -> memref<8192xf32, #tpu.memory_space<vmem>>
    %dma_wait3A_35 = tpu.memref_slice %arg2[%add3A_8] : memref<2097152xf32, #tpu.memory_space<hbm>> -> memref<8192xf32, #tpu.memory_space<hbm>>
    tpu.wait_dma2 semaphore(%arg11 : memref<!tpu.dma_semaphore, #tpu.memory_space<semaphore_mem>>) src(%dma_wait3A_35 : memref<8192xf32, #tpu.memory_space<hbm>>) dst(%dma_wait3A_34 : memref<8192xf32, #tpu.memory_space<vmem>>)
    %scan3A = arith.constant 0 : i32
    %scan3A_36 = arith.constant 4 : i32
    %scan3A_37 = arith.addi %scan3A, %scan3A_36 : i32
    %scan3A_38 = arith.constant 1 : i32
    %scan3A_39 = scf.for %scan3A_56 = %scan3A to %scan3A_37 step %scan3A_38 iter_args(%scan3A_57 = %broadcast_in_dim3A_28) -> (vector<16xf32>)  : i32 {
      %mul3A_58 = arith.constant 16 : i32
      %mul3A_59 = arith.muli %scan3A_56, %mul3A_58 : i32
      %get3A = arith.index_cast %mul3A_59 : i32 to index
      %get3A_60 = tpu.vector_load %arg7[%get3A] {strides = array<i32>} : memref<128xi32, #tpu.memory_space<vmem>>, vector<16xi32>,
      %mul3A_61 = arith.constant 2048 : i32
      %mul3A_62 = arith.muli %scan3A_56, %mul3A_61 : i32
      %mul3A_63 = arith.constant 129 : i32
      %mul3A_64 = vector.broadcast %mul3A_63 : i32 to vector<16xi32>
      %mul3A_65 = arith.muli %iota3A, %mul3A_64 : vector<16xi32>
      %add3A_66 = vector.broadcast %mul3A_62 : i32 to vector<16xi32>
      %add3A_67 = arith.addi %add3A_66, %mul3A_65 : vector<16xi32>
      %mul3A_68 = arith.constant 128 : i32
      %mul3A_69 = vector.broadcast %mul3A_68 : i32 to vector<16xi32>
      %mul3A_70 = arith.muli %get3A_60, %mul3A_69 : vector<16xi32>
      %add3A_71 = arith.addi %mul3A_70, %iota3A : vector<16xi32>
      %parallel_loop3A = arith.constant 0 : i32
      %parallel_loop3A_72 = arith.constant 14 : i32
      %parallel_loop3A_73 = arith.constant 1 : i32
      %parallel_loop3A_74:10 = scf.for %parallel_loop3A_427 = %parallel_loop3A to %parallel_loop3A_72 step %parallel_loop3A_73 iter_args(%parallel_loop3A_428 = %broadcast_in_dim3A_28, %parallel_loop3A_429 = %broadcast_in_dim3A_28, %parallel_loop3A_430 = %broadcast_in_dim3A_28, %parallel_loop3A_431 = %broadcast_in_dim3A_28, %parallel_loop3A_432 = %broadcast_in_dim3A_28, %parallel_loop3A_433 = %broadcast_in_dim3A_28, %parallel_loop3A_434 = %broadcast_in_dim3A_28, %parallel_loop3A_435 = %broadcast_in_dim3A_28, %parallel_loop3A_436 = %add3A_67, %parallel_loop3A_437 = %add3A_71) -> (vector<16xf32>, vector<16xf32>, vector<16xf32>, vector<16xf32>, vector<16xf32>, vector<16xf32>, vector<16xf32>, vector<16xf32>, vector<16xi32>, vector<16xi32>)  : i32 {
        %parallel_loop3A_438 = arith.constant 0 : i32
        %parallel_loop3A_439 = vector.broadcast %parallel_loop3A_438 : i32 to vector<16xi32>
        %parallel_loop3A_440 = arith.addi %parallel_loop3A_436, %parallel_loop3A_439 : vector<16xi32>
        %parallel_loop3A_441 = tpu.vector_load_idx %arg6[%parallel_loop3A_440] : memref<16384xf32, #tpu.memory_space<vmem>>[vector<16xi32>], vector<16xf32>,
        %parallel_loop3A_442 = arith.constant 0 : i32
        %parallel_loop3A_443 = vector.broadcast %parallel_loop3A_442 : i32 to vector<16xi32>
        %parallel_loop3A_444 = arith.addi %parallel_loop3A_437, %parallel_loop3A_443 : vector<16xi32>
        %parallel_loop3A_445 = tpu.vector_load_idx %arg8[%parallel_loop3A_444] : memref<12800xf32, #tpu.memory_space<vmem>>[vector<16xi32>], vector<16xf32>,
        %parallel_loop3A_446 = arith.subf %parallel_loop3A_441, %parallel_loop3A_445 : vector<16xf32>
        %parallel_loop3A_447 = arith.mulf %parallel_loop3A_446, %parallel_loop3A_446 : vector<16xf32>
        %parallel_loop3A_448 = arith.addf %parallel_loop3A_428, %parallel_loop3A_447 : vector<16xf32>
        %parallel_loop3A_449 = arith.constant 1 : i32
        %parallel_loop3A_450 = vector.broadcast %parallel_loop3A_449 : i32 to vector<16xi32>
        %parallel_loop3A_451 = arith.addi %parallel_loop3A_436, %parallel_loop3A_450 : vector<16xi32>
        %parallel_loop3A_452 = tpu.vector_load_idx %arg6[%parallel_loop3A_451] : memref<16384xf32, #tpu.memory_space<vmem>>[vector<16xi32>], vector<16xf32>,
        %parallel_loop3A_453 = arith.constant 1 : i32
        %parallel_loop3A_454 = vector.broadcast %parallel_loop3A_453 : i32 to vector<16xi32>
        %parallel_loop3A_455 = arith.addi %parallel_loop3A_437, %parallel_loop3A_454 : vector<16xi32>
        %parallel_loop3A_456 = tpu.vector_load_idx %arg8[%parallel_loop3A_455] : memref<12800xf32, #tpu.memory_space<vmem>>[vector<16xi32>], vector<16xf32>,
        %parallel_loop3A_457 = arith.subf %parallel_loop3A_452, %parallel_loop3A_456 : vector<16xf32>
        %parallel_loop3A_458 = arith.mulf %parallel_loop3A_457, %parallel_loop3A_457 : vector<16xf32>
        %parallel_loop3A_459 = arith.addf %parallel_loop3A_429, %parallel_loop3A_458 : vector<16xf32>
        %parallel_loop3A_460 = arith.constant 2 : i32
        %parallel_loop3A_461 = vector.broadcast %parallel_loop3A_460 : i32 to vector<16xi32>
        %parallel_loop3A_462 = arith.addi %parallel_loop3A_436, %parallel_loop3A_461 : vector<16xi32>
        %parallel_loop3A_463 = tpu.vector_load_idx %arg6[%parallel_loop3A_462] : memref<16384xf32, #tpu.memory_space<vmem>>[vector<16xi32>], vector<16xf32>,
        %parallel_loop3A_464 = arith.constant 2 : i32
        %parallel_loop3A_465 = vector.broadcast %parallel_loop3A_464 : i32 to vector<16xi32>
        %parallel_loop3A_466 = arith.addi %parallel_loop3A_437, %parallel_loop3A_465 : vector<16xi32>
        %parallel_loop3A_467 = tpu.vector_load_idx %arg8[%parallel_loop3A_466] : memref<12800xf32, #tpu.memory_space<vmem>>[vector<16xi32>], vector<16xf32>,
        %parallel_loop3A_468 = arith.subf %parallel_loop3A_463, %parallel_loop3A_467 : vector<16xf32>
        %parallel_loop3A_469 = arith.mulf %parallel_loop3A_468, %parallel_loop3A_468 : vector<16xf32>
        %parallel_loop3A_470 = arith.addf %parallel_loop3A_430, %parallel_loop3A_469 : vector<16xf32>
        %parallel_loop3A_471 = arith.constant 3 : i32
        %parallel_loop3A_472 = vector.broadcast %parallel_loop3A_471 : i32 to vector<16xi32>
        %parallel_loop3A_473 = arith.addi %parallel_loop3A_436, %parallel_loop3A_472 : vector<16xi32>
        %parallel_loop3A_474 = tpu.vector_load_idx %arg6[%parallel_loop3A_473] : memref<16384xf32, #tpu.memory_space<vmem>>[vector<16xi32>], vector<16xf32>,
        %parallel_loop3A_475 = arith.constant 3 : i32
        %parallel_loop3A_476 = vector.broadcast %parallel_loop3A_475 : i32 to vector<16xi32>
        %parallel_loop3A_477 = arith.addi %parallel_loop3A_437, %parallel_loop3A_476 : vector<16xi32>
        %parallel_loop3A_478 = tpu.vector_load_idx %arg8[%parallel_loop3A_477] : memref<12800xf32, #tpu.memory_space<vmem>>[vector<16xi32>], vector<16xf32>,
        %parallel_loop3A_479 = arith.subf %parallel_loop3A_474, %parallel_loop3A_478 : vector<16xf32>
        %parallel_loop3A_480 = arith.mulf %parallel_loop3A_479, %parallel_loop3A_479 : vector<16xf32>
        %parallel_loop3A_481 = arith.addf %parallel_loop3A_431, %parallel_loop3A_480 : vector<16xf32>
        %parallel_loop3A_482 = arith.constant 4 : i32
        %parallel_loop3A_483 = vector.broadcast %parallel_loop3A_482 : i32 to vector<16xi32>
        %parallel_loop3A_484 = arith.addi %parallel_loop3A_436, %parallel_loop3A_483 : vector<16xi32>
        %parallel_loop3A_485 = tpu.vector_load_idx %arg6[%parallel_loop3A_484] : memref<16384xf32, #tpu.memory_space<vmem>>[vector<16xi32>], vector<16xf32>,
        %parallel_loop3A_486 = arith.constant 4 : i32
        %parallel_loop3A_487 = vector.broadcast %parallel_loop3A_486 : i32 to vector<16xi32>
        %parallel_loop3A_488 = arith.addi %parallel_loop3A_437, %parallel_loop3A_487 : vector<16xi32>
        %parallel_loop3A_489 = tpu.vector_load_idx %arg8[%parallel_loop3A_488] : memref<12800xf32, #tpu.memory_space<vmem>>[vector<16xi32>], vector<16xf32>,
        %parallel_loop3A_490 = arith.subf %parallel_loop3A_485, %parallel_loop3A_489 : vector<16xf32>
        %parallel_loop3A_491 = arith.mulf %parallel_loop3A_490, %parallel_loop3A_490 : vector<16xf32>
        %parallel_loop3A_492 = arith.addf %parallel_loop3A_432, %parallel_loop3A_491 : vector<16xf32>
        %parallel_loop3A_493 = arith.constant 5 : i32
        %parallel_loop3A_494 = vector.broadcast %parallel_loop3A_493 : i32 to vector<16xi32>
        %parallel_loop3A_495 = arith.addi %parallel_loop3A_436, %parallel_loop3A_494 : vector<16xi32>
        %parallel_loop3A_496 = tpu.vector_load_idx %arg6[%parallel_loop3A_495] : memref<16384xf32, #tpu.memory_space<vmem>>[vector<16xi32>], vector<16xf32>,
        %parallel_loop3A_497 = arith.constant 5 : i32
        %parallel_loop3A_498 = vector.broadcast %parallel_loop3A_497 : i32 to vector<16xi32>
        %parallel_loop3A_499 = arith.addi %parallel_loop3A_437, %parallel_loop3A_498 : vector<16xi32>
        %parallel_loop3A_500 = tpu.vector_load_idx %arg8[%parallel_loop3A_499] : memref<12800xf32, #tpu.memory_space<vmem>>[vector<16xi32>], vector<16xf32>,
        %parallel_loop3A_501 = arith.subf %parallel_loop3A_496, %parallel_loop3A_500 : vector<16xf32>
        %parallel_loop3A_502 = arith.mulf %parallel_loop3A_501, %parallel_loop3A_501 : vector<16xf32>
        %parallel_loop3A_503 = arith.addf %parallel_loop3A_433, %parallel_loop3A_502 : vector<16xf32>
        %parallel_loop3A_504 = arith.constant 6 : i32
        %parallel_loop3A_505 = vector.broadcast %parallel_loop3A_504 : i32 to vector<16xi32>
        %parallel_loop3A_506 = arith.addi %parallel_loop3A_436, %parallel_loop3A_505 : vector<16xi32>
        %parallel_loop3A_507 = tpu.vector_load_idx %arg6[%parallel_loop3A_506] : memref<16384xf32, #tpu.memory_space<vmem>>[vector<16xi32>], vector<16xf32>,
        %parallel_loop3A_508 = arith.constant 6 : i32
        %parallel_loop3A_509 = vector.broadcast %parallel_loop3A_508 : i32 to vector<16xi32>
        %parallel_loop3A_510 = arith.addi %parallel_loop3A_437, %parallel_loop3A_509 : vector<16xi32>
        %parallel_loop3A_511 = tpu.vector_load_idx %arg8[%parallel_loop3A_510] : memref<12800xf32, #tpu.memory_space<vmem>>[vector<16xi32>], vector<16xf32>,
        %parallel_loop3A_512 = arith.subf %parallel_loop3A_507, %parallel_loop3A_511 : vector<16xf32>
        %parallel_loop3A_513 = arith.mulf %parallel_loop3A_512, %parallel_loop3A_512 : vector<16xf32>
        %parallel_loop3A_514 = arith.addf %parallel_loop3A_434, %parallel_loop3A_513 : vector<16xf32>
        %parallel_loop3A_515 = arith.constant 7 : i32
        %parallel_loop3A_516 = vector.broadcast %parallel_loop3A_515 : i32 to vector<16xi32>
        %parallel_loop3A_517 = arith.addi %parallel_loop3A_436, %parallel_loop3A_516 : vector<16xi32>
        %parallel_loop3A_518 = tpu.vector_load_idx %arg6[%parallel_loop3A_517] : memref<16384xf32, #tpu.memory_space<vmem>>[vector<16xi32>], vector<16xf32>,
        %parallel_loop3A_519 = arith.constant 7 : i32
        %parallel_loop3A_520 = vector.broadcast %parallel_loop3A_519 : i32 to vector<16xi32>
        %parallel_loop3A_521 = arith.addi %parallel_loop3A_437, %parallel_loop3A_520 : vector<16xi32>
        %parallel_loop3A_522 = tpu.vector_load_idx %arg8[%parallel_loop3A_521] : memref<12800xf32, #tpu.memory_space<vmem>>[vector<16xi32>], vector<16xf32>,
        %parallel_loop3A_523 = arith.subf %parallel_loop3A_518, %parallel_loop3A_522 : vector<16xf32>
        %parallel_loop3A_524 = arith.mulf %parallel_loop3A_523, %parallel_loop3A_523 : vector<16xf32>
        %parallel_loop3A_525 = arith.addf %parallel_loop3A_435, %parallel_loop3A_524 : vector<16xf32>
        %parallel_loop3A_526 = arith.constant 8 : i32
        %parallel_loop3A_527 = vector.broadcast %parallel_loop3A_526 : i32 to vector<16xi32>
        %parallel_loop3A_528 = arith.addi %parallel_loop3A_436, %parallel_loop3A_527 : vector<16xi32>
        %parallel_loop3A_529 = arith.constant 8 : i32
        %parallel_loop3A_530 = vector.broadcast %parallel_loop3A_529 : i32 to vector<16xi32>
        %parallel_loop3A_531 = arith.addi %parallel_loop3A_437, %parallel_loop3A_530 : vector<16xi32>
        scf.yield %parallel_loop3A_448, %parallel_loop3A_459, %parallel_loop3A_470, %parallel_loop3A_481, %parallel_loop3A_492, %parallel_loop3A_503, %parallel_loop3A_514, %parallel_loop3A_525, %parallel_loop3A_528, %parallel_loop3A_531 : vector<16xf32>, vector<16xf32>, vector<16xf32>, vector<16xf32>, vector<16xf32>, vector<16xf32>, vector<16xf32>, vector<16xf32>, vector<16xi32>, vector<16xi32>
      } {sc.loop_unroll_factor = 1 : i64, sc.parallel_access}
      %mul3A_75 = arith.constant 2048 : i32
      %mul3A_76 = arith.muli %scan3A_56, %mul3A_75 : i32
      %mul3A_77 = arith.constant 128 : i32
      %mul3A_78 = vector.broadcast %mul3A_77 : i32 to vector<16xi32>
      %mul3A_79 = arith.muli %iota3A, %mul3A_78 : vector<16xi32>
      %add3A_80 = vector.broadcast %mul3A_76 : i32 to vector<16xi32>
      %add3A_81 = arith.addi %add3A_80, %mul3A_79 : vector<16xi32>
      %add3A_82 = arith.constant 112 : i32
      %add3A_83 = vector.broadcast %add3A_82 : i32 to vector<16xi32>
      %add3A_84 = arith.addi %iota3A, %add3A_83 : vector<16xi32>
      %add3A_85 = arith.constant 0 : i32
      %add3A_86 = vector.broadcast %add3A_85 : i32 to vector<16xi32>
      %add3A_87 = arith.addi %add3A_84, %add3A_86 : vector<16xi32>
      %and3A = arith.constant 127 : i32
      %and3A_88 = vector.broadcast %and3A : i32 to vector<16xi32>
      %and3A_89 = arith.andi %add3A_87, %and3A_88 : vector<16xi32>
      %add3A_90 = arith.addi %add3A_81, %and3A_89 : vector<16xi32>
      %gather3A = tpu.vector_load_idx %arg6[%add3A_90] : memref<16384xf32, #tpu.memory_space<vmem>>[vector<16xi32>], vector<16xf32>,
      %mul3A_91 = arith.constant 128 : i32
      %mul3A_92 = vector.broadcast %mul3A_91 : i32 to vector<16xi32>
      %mul3A_93 = arith.muli %get3A_60, %mul3A_92 : vector<16xi32>
      %add3A_94 = arith.addi %mul3A_93, %and3A_89 : vector<16xi32>
      %gather3A_95 = tpu.vector_load_idx %arg8[%add3A_94] : memref<12800xf32, #tpu.memory_space<vmem>>[vector<16xi32>], vector<16xf32>,
      %sub3A = arith.subf %gather3A, %gather3A_95 : vector<16xf32>
      %mul3A_96 = arith.mulf %sub3A, %sub3A : vector<16xf32>
      %add3A_97 = arith.addf %parallel_loop3A_74#0, %mul3A_96 : vector<16xf32>
      %add3A_98 = arith.constant 112 : i32
      %add3A_99 = vector.broadcast %add3A_98 : i32 to vector<16xi32>
      %add3A_100 = arith.addi %iota3A, %add3A_99 : vector<16xi32>
      %add3A_101 = arith.constant 1 : i32
      %add3A_102 = vector.broadcast %add3A_101 : i32 to vector<16xi32>
      %add3A_103 = arith.addi %add3A_100, %add3A_102 : vector<16xi32>
      %and3A_104 = arith.constant 127 : i32
      %and3A_105 = vector.broadcast %and3A_104 : i32 to vector<16xi32>
      %and3A_106 = arith.andi %add3A_103, %and3A_105 : vector<16xi32>
      %add3A_107 = arith.addi %add3A_81, %and3A_106 : vector<16xi32>
      %gather3A_108 = tpu.vector_load_idx %arg6[%add3A_107] : memref<16384xf32, #tpu.memory_space<vmem>>[vector<16xi32>], vector<16xf32>,
      %mul3A_109 = arith.constant 128 : i32
      %mul3A_110 = vector.broadcast %mul3A_109 : i32 to vector<16xi32>
      %mul3A_111 = arith.muli %get3A_60, %mul3A_110 : vector<16xi32>
      %add3A_112 = arith.addi %mul3A_111, %and3A_106 : vector<16xi32>
      %gather3A_113 = tpu.vector_load_idx %arg8[%add3A_112] : memref<12800xf32, #tpu.memory_space<vmem>>[vector<16xi32>], vector<16xf32>,
      %sub3A_114 = arith.subf %gather3A_108, %gather3A_113 : vector<16xf32>
      %mul3A_115 = arith.mulf %sub3A_114, %sub3A_114 : vector<16xf32>
      %add3A_116 = arith.addf %parallel_loop3A_74#1, %mul3A_115 : vector<16xf32>
      %add3A_117 = arith.constant 112 : i32
      %add3A_118 = vector.broadcast %add3A_117 : i32 to vector<16xi32>
      %add3A_119 = arith.addi %iota3A, %add3A_118 : vector<16xi32>
      %add3A_120 = arith.constant 2 : i32
      %add3A_121 = vector.broadcast %add3A_120 : i32 to vector<16xi32>
      %add3A_122 = arith.addi %add3A_119, %add3A_121 : vector<16xi32>
      %and3A_123 = arith.constant 127 : i32
      %and3A_124 = vector.broadcast %and3A_123 : i32 to vector<16xi32>
      %and3A_125 = arith.andi %add3A_122, %and3A_124 : vector<16xi32>
      %add3A_126 = arith.addi %add3A_81, %and3A_125 : vector<16xi32>
      %gather3A_127 = tpu.vector_load_idx %arg6[%add3A_126] : memref<16384xf32, #tpu.memory_space<vmem>>[vector<16xi32>], vector<16xf32>,
      %mul3A_128 = arith.constant 128 : i32
      %mul3A_129 = vector.broadcast %mul3A_128 : i32 to vector<16xi32>
      %mul3A_130 = arith.muli %get3A_60, %mul3A_129 : vector<16xi32>
      %add3A_131 = arith.addi %mul3A_130, %and3A_125 : vector<16xi32>
      %gather3A_132 = tpu.vector_load_idx %arg8[%add3A_131] : memref<12800xf32, #tpu.memory_space<vmem>>[vector<16xi32>], vector<16xf32>,
      %sub3A_133 = arith.subf %gather3A_127, %gather3A_132 : vector<16xf32>
      %mul3A_134 = arith.mulf %sub3A_133, %sub3A_133 : vector<16xf32>
      %add3A_135 = arith.addf %parallel_loop3A_74#2, %mul3A_134 : vector<16xf32>
      %add3A_136 = arith.constant 112 : i32
      %add3A_137 = vector.broadcast %add3A_136 : i32 to vector<16xi32>
      %add3A_138 = arith.addi %iota3A, %add3A_137 : vector<16xi32>
      %add3A_139 = arith.constant 3 : i32
      %add3A_140 = vector.broadcast %add3A_139 : i32 to vector<16xi32>
      %add3A_141 = arith.addi %add3A_138, %add3A_140 : vector<16xi32>
      %and3A_142 = arith.constant 127 : i32
      %and3A_143 = vector.broadcast %and3A_142 : i32 to vector<16xi32>
      %and3A_144 = arith.andi %add3A_141, %and3A_143 : vector<16xi32>
      %add3A_145 = arith.addi %add3A_81, %and3A_144 : vector<16xi32>
      %gather3A_146 = tpu.vector_load_idx %arg6[%add3A_145] : memref<16384xf32, #tpu.memory_space<vmem>>[vector<16xi32>], vector<16xf32>,
      %mul3A_147 = arith.constant 128 : i32
      %mul3A_148 = vector.broadcast %mul3A_147 : i32 to vector<16xi32>
      %mul3A_149 = arith.muli %get3A_60, %mul3A_148 : vector<16xi32>
      %add3A_150 = arith.addi %mul3A_149, %and3A_144 : vector<16xi32>
      %gather3A_151 = tpu.vector_load_idx %arg8[%add3A_150] : memref<12800xf32, #tpu.memory_space<vmem>>[vector<16xi32>], vector<16xf32>,
      %sub3A_152 = arith.subf %gather3A_146, %gather3A_151 : vector<16xf32>
      %mul3A_153 = arith.mulf %sub3A_152, %sub3A_152 : vector<16xf32>
      %add3A_154 = arith.addf %parallel_loop3A_74#3, %mul3A_153 : vector<16xf32>
      %add3A_155 = arith.constant 112 : i32
      %add3A_156 = vector.broadcast %add3A_155 : i32 to vector<16xi32>
      %add3A_157 = arith.addi %iota3A, %add3A_156 : vector<16xi32>
      %add3A_158 = arith.constant 4 : i32
      %add3A_159 = vector.broadcast %add3A_158 : i32 to vector<16xi32>
      %add3A_160 = arith.addi %add3A_157, %add3A_159 : vector<16xi32>
      %and3A_161 = arith.constant 127 : i32
      %and3A_162 = vector.broadcast %and3A_161 : i32 to vector<16xi32>
      %and3A_163 = arith.andi %add3A_160, %and3A_162 : vector<16xi32>
      %add3A_164 = arith.addi %add3A_81, %and3A_163 : vector<16xi32>
      %gather3A_165 = tpu.vector_load_idx %arg6[%add3A_164] : memref<16384xf32, #tpu.memory_space<vmem>>[vector<16xi32>], vector<16xf32>,
      %mul3A_166 = arith.constant 128 : i32
      %mul3A_167 = vector.broadcast %mul3A_166 : i32 to vector<16xi32>
      %mul3A_168 = arith.muli %get3A_60, %mul3A_167 : vector<16xi32>
      %add3A_169 = arith.addi %mul3A_168, %and3A_163 : vector<16xi32>
      %gather3A_170 = tpu.vector_load_idx %arg8[%add3A_169] : memref<12800xf32, #tpu.memory_space<vmem>>[vector<16xi32>], vector<16xf32>,
      %sub3A_171 = arith.subf %gather3A_165, %gather3A_170 : vector<16xf32>
      %mul3A_172 = arith.mulf %sub3A_171, %sub3A_171 : vector<16xf32>
      %add3A_173 = arith.addf %parallel_loop3A_74#4, %mul3A_172 : vector<16xf32>
      %add3A_174 = arith.constant 112 : i32
      %add3A_175 = vector.broadcast %add3A_174 : i32 to vector<16xi32>
      %add3A_176 = arith.addi %iota3A, %add3A_175 : vector<16xi32>
      %add3A_177 = arith.constant 5 : i32
      %add3A_178 = vector.broadcast %add3A_177 : i32 to vector<16xi32>
      %add3A_179 = arith.addi %add3A_176, %add3A_178 : vector<16xi32>
      %and3A_180 = arith.constant 127 : i32
      %and3A_181 = vector.broadcast %and3A_180 : i32 to vector<16xi32>
      %and3A_182 = arith.andi %add3A_179, %and3A_181 : vector<16xi32>
      %add3A_183 = arith.addi %add3A_81, %and3A_182 : vector<16xi32>
      %gather3A_184 = tpu.vector_load_idx %arg6[%add3A_183] : memref<16384xf32, #tpu.memory_space<vmem>>[vector<16xi32>], vector<16xf32>,
      %mul3A_185 = arith.constant 128 : i32
      %mul3A_186 = vector.broadcast %mul3A_185 : i32 to vector<16xi32>
      %mul3A_187 = arith.muli %get3A_60, %mul3A_186 : vector<16xi32>
      %add3A_188 = arith.addi %mul3A_187, %and3A_182 : vector<16xi32>
      %gather3A_189 = tpu.vector_load_idx %arg8[%add3A_188] : memref<12800xf32, #tpu.memory_space<vmem>>[vector<16xi32>], vector<16xf32>,
      %sub3A_190 = arith.subf %gather3A_184, %gather3A_189 : vector<16xf32>
      %mul3A_191 = arith.mulf %sub3A_190, %sub3A_190 : vector<16xf32>
      %add3A_192 = arith.addf %parallel_loop3A_74#5, %mul3A_191 : vector<16xf32>
      %add3A_193 = arith.constant 112 : i32
      %add3A_194 = vector.broadcast %add3A_193 : i32 to vector<16xi32>
      %add3A_195 = arith.addi %iota3A, %add3A_194 : vector<16xi32>
      %add3A_196 = arith.constant 6 : i32
      %add3A_197 = vector.broadcast %add3A_196 : i32 to vector<16xi32>
      %add3A_198 = arith.addi %add3A_195, %add3A_197 : vector<16xi32>
      %and3A_199 = arith.constant 127 : i32
      %and3A_200 = vector.broadcast %and3A_199 : i32 to vector<16xi32>
      %and3A_201 = arith.andi %add3A_198, %and3A_200 : vector<16xi32>
      %add3A_202 = arith.addi %add3A_81, %and3A_201 : vector<16xi32>
      %gather3A_203 = tpu.vector_load_idx %arg6[%add3A_202] : memref<16384xf32, #tpu.memory_space<vmem>>[vector<16xi32>], vector<16xf32>,
      %mul3A_204 = arith.constant 128 : i32
      %mul3A_205 = vector.broadcast %mul3A_204 : i32 to vector<16xi32>
      %mul3A_206 = arith.muli %get3A_60, %mul3A_205 : vector<16xi32>
      %add3A_207 = arith.addi %mul3A_206, %and3A_201 : vector<16xi32>
      %gather3A_208 = tpu.vector_load_idx %arg8[%add3A_207] : memref<12800xf32, #tpu.memory_space<vmem>>[vector<16xi32>], vector<16xf32>,
      %sub3A_209 = arith.subf %gather3A_203, %gather3A_208 : vector<16xf32>
      %mul3A_210 = arith.mulf %sub3A_209, %sub3A_209 : vector<16xf32>
      %add3A_211 = arith.addf %parallel_loop3A_74#6, %mul3A_210 : vector<16xf32>
      %add3A_212 = arith.constant 112 : i32
      %add3A_213 = vector.broadcast %add3A_212 : i32 to vector<16xi32>
      %add3A_214 = arith.addi %iota3A, %add3A_213 : vector<16xi32>
      %add3A_215 = arith.constant 7 : i32
      %add3A_216 = vector.broadcast %add3A_215 : i32 to vector<16xi32>
      %add3A_217 = arith.addi %add3A_214, %add3A_216 : vector<16xi32>
      %and3A_218 = arith.constant 127 : i32
      %and3A_219 = vector.broadcast %and3A_218 : i32 to vector<16xi32>
      %and3A_220 = arith.andi %add3A_217, %and3A_219 : vector<16xi32>
      %add3A_221 = arith.addi %add3A_81, %and3A_220 : vector<16xi32>
      %gather3A_222 = tpu.vector_load_idx %arg6[%add3A_221] : memref<16384xf32, #tpu.memory_space<vmem>>[vector<16xi32>], vector<16xf32>,
      %mul3A_223 = arith.constant 128 : i32
      %mul3A_224 = vector.broadcast %mul3A_223 : i32 to vector<16xi32>
      %mul3A_225 = arith.muli %get3A_60, %mul3A_224 : vector<16xi32>
      %add3A_226 = arith.addi %mul3A_225, %and3A_220 : vector<16xi32>
      %gather3A_227 = tpu.vector_load_idx %arg8[%add3A_226] : memref<12800xf32, #tpu.memory_space<vmem>>[vector<16xi32>], vector<16xf32>,
      %sub3A_228 = arith.subf %gather3A_222, %gather3A_227 : vector<16xf32>
      %mul3A_229 = arith.mulf %sub3A_228, %sub3A_228 : vector<16xf32>
      %add3A_230 = arith.addf %parallel_loop3A_74#7, %mul3A_229 : vector<16xf32>
      %add3A_231 = arith.constant 112 : i32
      %add3A_232 = vector.broadcast %add3A_231 : i32 to vector<16xi32>
      %add3A_233 = arith.addi %iota3A, %add3A_232 : vector<16xi32>
      %add3A_234 = arith.constant 8 : i32
      %add3A_235 = vector.broadcast %add3A_234 : i32 to vector<16xi32>
      %add3A_236 = arith.addi %add3A_233, %add3A_235 : vector<16xi32>
      %and3A_237 = arith.constant 127 : i32
      %and3A_238 = vector.broadcast %and3A_237 : i32 to vector<16xi32>
      %and3A_239 = arith.andi %add3A_236, %and3A_238 : vector<16xi32>
      %add3A_240 = arith.addi %add3A_81, %and3A_239 : vector<16xi32>
      %gather3A_241 = tpu.vector_load_idx %arg6[%add3A_240] : memref<16384xf32, #tpu.memory_space<vmem>>[vector<16xi32>], vector<16xf32>,
      %mul3A_242 = arith.constant 128 : i32
      %mul3A_243 = vector.broadcast %mul3A_242 : i32 to vector<16xi32>
      %mul3A_244 = arith.muli %get3A_60, %mul3A_243 : vector<16xi32>
      %add3A_245 = arith.addi %mul3A_244, %and3A_239 : vector<16xi32>
      %gather3A_246 = tpu.vector_load_idx %arg8[%add3A_245] : memref<12800xf32, #tpu.memory_space<vmem>>[vector<16xi32>], vector<16xf32>,
      %sub3A_247 = arith.subf %gather3A_241, %gather3A_246 : vector<16xf32>
      %mul3A_248 = arith.mulf %sub3A_247, %sub3A_247 : vector<16xf32>
      %add3A_249 = arith.addf %add3A_97, %mul3A_248 : vector<16xf32>
      %add3A_250 = arith.constant 112 : i32
      %add3A_251 = vector.broadcast %add3A_250 : i32 to vector<16xi32>
      %add3A_252 = arith.addi %iota3A, %add3A_251 : vector<16xi32>
      %add3A_253 = arith.constant 9 : i32
      %add3A_254 = vector.broadcast %add3A_253 : i32 to vector<16xi32>
      %add3A_255 = arith.addi %add3A_252, %add3A_254 : vector<16xi32>
      %and3A_256 = arith.constant 127 : i32
      %and3A_257 = vector.broadcast %and3A_256 : i32 to vector<16xi32>
      %and3A_258 = arith.andi %add3A_255, %and3A_257 : vector<16xi32>
      %add3A_259 = arith.addi %add3A_81, %and3A_258 : vector<16xi32>
      %gather3A_260 = tpu.vector_load_idx %arg6[%add3A_259] : memref<16384xf32, #tpu.memory_space<vmem>>[vector<16xi32>], vector<16xf32>,
      %mul3A_261 = arith.constant 128 : i32
      %mul3A_262 = vector.broadcast %mul3A_261 : i32 to vector<16xi32>
      %mul3A_263 = arith.muli %get3A_60, %mul3A_262 : vector<16xi32>
      %add3A_264 = arith.addi %mul3A_263, %and3A_258 : vector<16xi32>
      %gather3A_265 = tpu.vector_load_idx %arg8[%add3A_264] : memref<12800xf32, #tpu.memory_space<vmem>>[vector<16xi32>], vector<16xf32>,
      %sub3A_266 = arith.subf %gather3A_260, %gather3A_265 : vector<16xf32>
      %mul3A_267 = arith.mulf %sub3A_266, %sub3A_266 : vector<16xf32>
      %add3A_268 = arith.addf %add3A_116, %mul3A_267 : vector<16xf32>
      %add3A_269 = arith.constant 112 : i32
      %add3A_270 = vector.broadcast %add3A_269 : i32 to vector<16xi32>
      %add3A_271 = arith.addi %iota3A, %add3A_270 : vector<16xi32>
      %add3A_272 = arith.constant 10 : i32
      %add3A_273 = vector.broadcast %add3A_272 : i32 to vector<16xi32>
      %add3A_274 = arith.addi %add3A_271, %add3A_273 : vector<16xi32>
      %and3A_275 = arith.constant 127 : i32
      %and3A_276 = vector.broadcast %and3A_275 : i32 to vector<16xi32>
      %and3A_277 = arith.andi %add3A_274, %and3A_276 : vector<16xi32>
      %add3A_278 = arith.addi %add3A_81, %and3A_277 : vector<16xi32>
      %gather3A_279 = tpu.vector_load_idx %arg6[%add3A_278] : memref<16384xf32, #tpu.memory_space<vmem>>[vector<16xi32>], vector<16xf32>,
      %mul3A_280 = arith.constant 128 : i32
      %mul3A_281 = vector.broadcast %mul3A_280 : i32 to vector<16xi32>
      %mul3A_282 = arith.muli %get3A_60, %mul3A_281 : vector<16xi32>
      %add3A_283 = arith.addi %mul3A_282, %and3A_277 : vector<16xi32>
      %gather3A_284 = tpu.vector_load_idx %arg8[%add3A_283] : memref<12800xf32, #tpu.memory_space<vmem>>[vector<16xi32>], vector<16xf32>,
      %sub3A_285 = arith.subf %gather3A_279, %gather3A_284 : vector<16xf32>
      %mul3A_286 = arith.mulf %sub3A_285, %sub3A_285 : vector<16xf32>
      %add3A_287 = arith.addf %add3A_135, %mul3A_286 : vector<16xf32>
      %add3A_288 = arith.constant 112 : i32
      %add3A_289 = vector.broadcast %add3A_288 : i32 to vector<16xi32>
      %add3A_290 = arith.addi %iota3A, %add3A_289 : vector<16xi32>
      %add3A_291 = arith.constant 11 : i32
      %add3A_292 = vector.broadcast %add3A_291 : i32 to vector<16xi32>
      %add3A_293 = arith.addi %add3A_290, %add3A_292 : vector<16xi32>
      %and3A_294 = arith.constant 127 : i32
      %and3A_295 = vector.broadcast %and3A_294 : i32 to vector<16xi32>
      %and3A_296 = arith.andi %add3A_293, %and3A_295 : vector<16xi32>
      %add3A_297 = arith.addi %add3A_81, %and3A_296 : vector<16xi32>
      %gather3A_298 = tpu.vector_load_idx %arg6[%add3A_297] : memref<16384xf32, #tpu.memory_space<vmem>>[vector<16xi32>], vector<16xf32>,
      %mul3A_299 = arith.constant 128 : i32
      %mul3A_300 = vector.broadcast %mul3A_299 : i32 to vector<16xi32>
      %mul3A_301 = arith.muli %get3A_60, %mul3A_300 : vector<16xi32>
      %add3A_302 = arith.addi %mul3A_301, %and3A_296 : vector<16xi32>
      %gather3A_303 = tpu.vector_load_idx %arg8[%add3A_302] : memref<12800xf32, #tpu.memory_space<vmem>>[vector<16xi32>], vector<16xf32>,
      %sub3A_304 = arith.subf %gather3A_298, %gather3A_303 : vector<16xf32>
      %mul3A_305 = arith.mulf %sub3A_304, %sub3A_304 : vector<16xf32>
      %add3A_306 = arith.addf %add3A_154, %mul3A_305 : vector<16xf32>
      %add3A_307 = arith.constant 112 : i32
      %add3A_308 = vector.broadcast %add3A_307 : i32 to vector<16xi32>
      %add3A_309 = arith.addi %iota3A, %add3A_308 : vector<16xi32>
      %add3A_310 = arith.constant 12 : i32
      %add3A_311 = vector.broadcast %add3A_310 : i32 to vector<16xi32>
      %add3A_312 = arith.addi %add3A_309, %add3A_311 : vector<16xi32>
      %and3A_313 = arith.constant 127 : i32
      %and3A_314 = vector.broadcast %and3A_313 : i32 to vector<16xi32>
      %and3A_315 = arith.andi %add3A_312, %and3A_314 : vector<16xi32>
      %add3A_316 = arith.addi %add3A_81, %and3A_315 : vector<16xi32>
      %gather3A_317 = tpu.vector_load_idx %arg6[%add3A_316] : memref<16384xf32, #tpu.memory_space<vmem>>[vector<16xi32>], vector<16xf32>,
      %mul3A_318 = arith.constant 128 : i32
      %mul3A_319 = vector.broadcast %mul3A_318 : i32 to vector<16xi32>
      %mul3A_320 = arith.muli %get3A_60, %mul3A_319 : vector<16xi32>
      %add3A_321 = arith.addi %mul3A_320, %and3A_315 : vector<16xi32>
      %gather3A_322 = tpu.vector_load_idx %arg8[%add3A_321] : memref<12800xf32, #tpu.memory_space<vmem>>[vector<16xi32>], vector<16xf32>,
      %sub3A_323 = arith.subf %gather3A_317, %gather3A_322 : vector<16xf32>
      %mul3A_324 = arith.mulf %sub3A_323, %sub3A_323 : vector<16xf32>
      %add3A_325 = arith.addf %add3A_173, %mul3A_324 : vector<16xf32>
      %add3A_326 = arith.constant 112 : i32
      %add3A_327 = vector.broadcast %add3A_326 : i32 to vector<16xi32>
      %add3A_328 = arith.addi %iota3A, %add3A_327 : vector<16xi32>
      %add3A_329 = arith.constant 13 : i32
      %add3A_330 = vector.broadcast %add3A_329 : i32 to vector<16xi32>
      %add3A_331 = arith.addi %add3A_328, %add3A_330 : vector<16xi32>
      %and3A_332 = arith.constant 127 : i32
      %and3A_333 = vector.broadcast %and3A_332 : i32 to vector<16xi32>
      %and3A_334 = arith.andi %add3A_331, %and3A_333 : vector<16xi32>
      %add3A_335 = arith.addi %add3A_81, %and3A_334 : vector<16xi32>
      %gather3A_336 = tpu.vector_load_idx %arg6[%add3A_335] : memref<16384xf32, #tpu.memory_space<vmem>>[vector<16xi32>], vector<16xf32>,
      %mul3A_337 = arith.constant 128 : i32
      %mul3A_338 = vector.broadcast %mul3A_337 : i32 to vector<16xi32>
      %mul3A_339 = arith.muli %get3A_60, %mul3A_338 : vector<16xi32>
      %add3A_340 = arith.addi %mul3A_339, %and3A_334 : vector<16xi32>
      %gather3A_341 = tpu.vector_load_idx %arg8[%add3A_340] : memref<12800xf32, #tpu.memory_space<vmem>>[vector<16xi32>], vector<16xf32>,
      %sub3A_342 = arith.subf %gather3A_336, %gather3A_341 : vector<16xf32>
      %mul3A_343 = arith.mulf %sub3A_342, %sub3A_342 : vector<16xf32>
      %add3A_344 = arith.addf %add3A_192, %mul3A_343 : vector<16xf32>
      %add3A_345 = arith.constant 112 : i32
      %add3A_346 = vector.broadcast %add3A_345 : i32 to vector<16xi32>
      %add3A_347 = arith.addi %iota3A, %add3A_346 : vector<16xi32>
      %add3A_348 = arith.constant 14 : i32
      %add3A_349 = vector.broadcast %add3A_348 : i32 to vector<16xi32>
      %add3A_350 = arith.addi %add3A_347, %add3A_349 : vector<16xi32>
      %and3A_351 = arith.constant 127 : i32
      %and3A_352 = vector.broadcast %and3A_351 : i32 to vector<16xi32>
      %and3A_353 = arith.andi %add3A_350, %and3A_352 : vector<16xi32>
      %add3A_354 = arith.addi %add3A_81, %and3A_353 : vector<16xi32>
      %gather3A_355 = tpu.vector_load_idx %arg6[%add3A_354] : memref<16384xf32, #tpu.memory_space<vmem>>[vector<16xi32>], vector<16xf32>,
      %mul3A_356 = arith.constant 128 : i32
      %mul3A_357 = vector.broadcast %mul3A_356 : i32 to vector<16xi32>
      %mul3A_358 = arith.muli %get3A_60, %mul3A_357 : vector<16xi32>
      %add3A_359 = arith.addi %mul3A_358, %and3A_353 : vector<16xi32>
      %gather3A_360 = tpu.vector_load_idx %arg8[%add3A_359] : memref<12800xf32, #tpu.memory_space<vmem>>[vector<16xi32>], vector<16xf32>,
      %sub3A_361 = arith.subf %gather3A_355, %gather3A_360 : vector<16xf32>
      %mul3A_362 = arith.mulf %sub3A_361, %sub3A_361 : vector<16xf32>
      %add3A_363 = arith.addf %add3A_211, %mul3A_362 : vector<16xf32>
      %add3A_364 = arith.constant 112 : i32
      %add3A_365 = vector.broadcast %add3A_364 : i32 to vector<16xi32>
      %add3A_366 = arith.addi %iota3A, %add3A_365 : vector<16xi32>
      %add3A_367 = arith.constant 15 : i32
      %add3A_368 = vector.broadcast %add3A_367 : i32 to vector<16xi32>
      %add3A_369 = arith.addi %add3A_366, %add3A_368 : vector<16xi32>
      %and3A_370 = arith.constant 127 : i32
      %and3A_371 = vector.broadcast %and3A_370 : i32 to vector<16xi32>
      %and3A_372 = arith.andi %add3A_369, %and3A_371 : vector<16xi32>
      %add3A_373 = arith.addi %add3A_81, %and3A_372 : vector<16xi32>
      %gather3A_374 = tpu.vector_load_idx %arg6[%add3A_373] : memref<16384xf32, #tpu.memory_space<vmem>>[vector<16xi32>], vector<16xf32>,
      %mul3A_375 = arith.constant 128 : i32
      %mul3A_376 = vector.broadcast %mul3A_375 : i32 to vector<16xi32>
      %mul3A_377 = arith.muli %get3A_60, %mul3A_376 : vector<16xi32>
      %add3A_378 = arith.addi %mul3A_377, %and3A_372 : vector<16xi32>
      %gather3A_379 = tpu.vector_load_idx %arg8[%add3A_378] : memref<12800xf32, #tpu.memory_space<vmem>>[vector<16xi32>], vector<16xf32>,
      %sub3A_380 = arith.subf %gather3A_374, %gather3A_379 : vector<16xf32>
      %mul3A_381 = arith.mulf %sub3A_380, %sub3A_380 : vector<16xf32>
      %add3A_382 = arith.addf %add3A_230, %mul3A_381 : vector<16xf32>
      %add3A_383 = arith.addf %add3A_249, %add3A_268 : vector<16xf32>
      %add3A_384 = arith.addf %add3A_287, %add3A_306 : vector<16xf32>
      %add3A_385 = arith.addf %add3A_383, %add3A_384 : vector<16xf32>
      %add3A_386 = arith.addf %add3A_325, %add3A_344 : vector<16xf32>
      %add3A_387 = arith.addf %add3A_363, %add3A_382 : vector<16xf32>
      %add3A_388 = arith.addf %add3A_386, %add3A_387 : vector<16xf32>
      %add3A_389 = arith.addf %add3A_385, %add3A_388 : vector<16xf32>
      %max3A = arith.constant 1.000000e-30 : f32
      %max3A_390 = vector.broadcast %max3A : f32 to vector<16xf32>
      %max3A_391 = arith.maximumf %add3A_389, %max3A_390 : vector<16xf32>
      %bitcast_convert_type3A = tpu.bitcast %max3A_391 : vector<16xf32> -> vector<16xi32>
      %shift_right_logical3A = arith.constant 1 : i32
      %shift_right_logical3A_392 = vector.broadcast %shift_right_logical3A : i32 to vector<16xi32>
      %shift_right_logical3A_393 = arith.shrui %bitcast_convert_type3A, %shift_right_logical3A_392 : vector<16xi32>
      %sub3A_394 = arith.constant 1597463007 : i32
      %sub3A_395 = vector.broadcast %sub3A_394 : i32 to vector<16xi32>
      %sub3A_396 = arith.subi %sub3A_395, %shift_right_logical3A_393 : vector<16xi32>
      %bitcast_convert_type3A_397 = tpu.bitcast %sub3A_396 : vector<16xi32> -> vector<16xf32>
      %mul3A_398 = arith.constant 5.000000e-01 : f32
      %mul3A_399 = vector.broadcast %mul3A_398 : f32 to vector<16xf32>
      %mul3A_400 = arith.mulf %mul3A_399, %max3A_391 : vector<16xf32>
      %mul3A_401 = arith.mulf %mul3A_400, %bitcast_convert_type3A_397 : vector<16xf32>
      %mul3A_402 = arith.mulf %mul3A_401, %bitcast_convert_type3A_397 : vector<16xf32>
      %sub3A_403 = arith.constant 1.500000e+00 : f32
      %sub3A_404 = vector.broadcast %sub3A_403 : f32 to vector<16xf32>
      %sub3A_405 = arith.subf %sub3A_404, %mul3A_402 : vector<16xf32>
      %mul3A_406 = arith.mulf %bitcast_convert_type3A_397, %sub3A_405 : vector<16xf32>
      %mul3A_407 = arith.constant 5.000000e-01 : f32
      %mul3A_408 = vector.broadcast %mul3A_407 : f32 to vector<16xf32>
      %mul3A_409 = arith.mulf %mul3A_408, %max3A_391 : vector<16xf32>
      %mul3A_410 = arith.mulf %mul3A_409, %mul3A_406 : vector<16xf32>
      %mul3A_411 = arith.mulf %mul3A_410, %mul3A_406 : vector<16xf32>
      %sub3A_412 = arith.constant 1.500000e+00 : f32
      %sub3A_413 = vector.broadcast %sub3A_412 : f32 to vector<16xf32>
      %sub3A_414 = arith.subf %sub3A_413, %mul3A_411 : vector<16xf32>
      %mul3A_415 = arith.mulf %mul3A_406, %sub3A_414 : vector<16xf32>
      %mul3A_416 = arith.constant 5.000000e-01 : f32
      %mul3A_417 = vector.broadcast %mul3A_416 : f32 to vector<16xf32>
      %mul3A_418 = arith.mulf %mul3A_417, %max3A_391 : vector<16xf32>
      %mul3A_419 = arith.mulf %mul3A_418, %mul3A_415 : vector<16xf32>
      %mul3A_420 = arith.mulf %mul3A_419, %mul3A_415 : vector<16xf32>
      %sub3A_421 = arith.constant 1.500000e+00 : f32
      %sub3A_422 = vector.broadcast %sub3A_421 : f32 to vector<16xf32>
      %sub3A_423 = arith.subf %sub3A_422, %mul3A_420 : vector<16xf32>
      %mul3A_424 = arith.mulf %mul3A_415, %sub3A_423 : vector<16xf32>
      %mul3A_425 = arith.mulf %max3A_391, %mul3A_424 : vector<16xf32>
      %add3A_426 = arith.addf %scan3A_57, %mul3A_425 : vector<16xf32>
      scf.yield %add3A_426 : vector<16xf32>
    }
    %scan3A_40 = arith.constant 4 : i32
    %dma_wait3A_41 = arith.constant 8192 : i32
    %dma_wait3A_42 = tpu.memref_slice %arg6[%dma_wait3A_41] : memref<16384xf32, #tpu.memory_space<vmem>> -> memref<8192xf32, #tpu.memory_space<vmem>>
    %dma_wait3A_43 = tpu.memref_slice %arg2[%add3A_17] : memref<2097152xf32, #tpu.memory_space<hbm>> -> memref<8192xf32, #tpu.memory_space<hbm>>
    %dma_wait3A_44 = arith.constant 8192 : i32
    %dma_wait3A_45 = tpu.memref_slice %arg6[%dma_wait3A_44] : memref<16384xf32, #tpu.memory_space<vmem>> -> memref<8192xf32, #tpu.memory_space<vmem>>
    %dma_wait3A_46 = tpu.memref_slice %arg2[%add3A_17] : memref<2097152xf32, #tpu.memory_space<hbm>> -> memref<8192xf32, #tpu.memory_space<hbm>>
    tpu.wait_dma2 semaphore(%arg12 : memref<!tpu.dma_semaphore, #tpu.memory_space<semaphore_mem>>) src(%dma_wait3A_46 : memref<8192xf32, #tpu.memory_space<hbm>>) dst(%dma_wait3A_45 : memref<8192xf32, #tpu.memory_space<vmem>>)
    %scan3A_47 = arith.constant 4 : i32
    %scan3A_48 = arith.constant 4 : i32
    %scan3A_49 = arith.addi %scan3A_47, %scan3A_48 : i32
    %scan3A_50 = arith.constant 1 : i32
    %scan3A_51 = scf.for %scan3A_56 = %scan3A_47 to %scan3A_49 step %scan3A_50 iter_args(%scan3A_57 = %scan3A_39) -> (vector<16xf32>)  : i32 {
      %mul3A_58 = arith.constant 16 : i32
      %mul3A_59 = arith.muli %scan3A_56, %mul3A_58 : i32
      %get3A = arith.index_cast %mul3A_59 : i32 to index
      %get3A_60 = tpu.vector_load %arg7[%get3A] {strides = array<i32>} : memref<128xi32, #tpu.memory_space<vmem>>, vector<16xi32>,
      %mul3A_61 = arith.constant 2048 : i32
      %mul3A_62 = arith.muli %scan3A_56, %mul3A_61 : i32
      %mul3A_63 = arith.constant 129 : i32
      %mul3A_64 = vector.broadcast %mul3A_63 : i32 to vector<16xi32>
      %mul3A_65 = arith.muli %iota3A, %mul3A_64 : vector<16xi32>
      %add3A_66 = vector.broadcast %mul3A_62 : i32 to vector<16xi32>
      %add3A_67 = arith.addi %add3A_66, %mul3A_65 : vector<16xi32>
      %mul3A_68 = arith.constant 128 : i32
      %mul3A_69 = vector.broadcast %mul3A_68 : i32 to vector<16xi32>
      %mul3A_70 = arith.muli %get3A_60, %mul3A_69 : vector<16xi32>
      %add3A_71 = arith.addi %mul3A_70, %iota3A : vector<16xi32>
      %parallel_loop3A = arith.constant 0 : i32
      %parallel_loop3A_72 = arith.constant 14 : i32
      %parallel_loop3A_73 = arith.constant 1 : i32
      %parallel_loop3A_74:10 = scf.for %parallel_loop3A_427 = %parallel_loop3A to %parallel_loop3A_72 step %parallel_loop3A_73 iter_args(%parallel_loop3A_428 = %broadcast_in_dim3A_28, %parallel_loop3A_429 = %broadcast_in_dim3A_28, %parallel_loop3A_430 = %broadcast_in_dim3A_28, %parallel_loop3A_431 = %broadcast_in_dim3A_28, %parallel_loop3A_432 = %broadcast_in_dim3A_28, %parallel_loop3A_433 = %broadcast_in_dim3A_28, %parallel_loop3A_434 = %broadcast_in_dim3A_28, %parallel_loop3A_435 = %broadcast_in_dim3A_28, %parallel_loop3A_436 = %add3A_67, %parallel_loop3A_437 = %add3A_71) -> (vector<16xf32>, vector<16xf32>, vector<16xf32>, vector<16xf32>, vector<16xf32>, vector<16xf32>, vector<16xf32>, vector<16xf32>, vector<16xi32>, vector<16xi32>)  : i32 {
        %parallel_loop3A_438 = arith.constant 0 : i32
        %parallel_loop3A_439 = vector.broadcast %parallel_loop3A_438 : i32 to vector<16xi32>
        %parallel_loop3A_440 = arith.addi %parallel_loop3A_436, %parallel_loop3A_439 : vector<16xi32>
        %parallel_loop3A_441 = tpu.vector_load_idx %arg6[%parallel_loop3A_440] : memref<16384xf32, #tpu.memory_space<vmem>>[vector<16xi32>], vector<16xf32>,
        %parallel_loop3A_442 = arith.constant 0 : i32
        %parallel_loop3A_443 = vector.broadcast %parallel_loop3A_442 : i32 to vector<16xi32>
        %parallel_loop3A_444 = arith.addi %parallel_loop3A_437, %parallel_loop3A_443 : vector<16xi32>
        %parallel_loop3A_445 = tpu.vector_load_idx %arg8[%parallel_loop3A_444] : memref<12800xf32, #tpu.memory_space<vmem>>[vector<16xi32>], vector<16xf32>,
        %parallel_loop3A_446 = arith.subf %parallel_loop3A_441, %parallel_loop3A_445 : vector<16xf32>
        %parallel_loop3A_447 = arith.mulf %parallel_loop3A_446, %parallel_loop3A_446 : vector<16xf32>
        %parallel_loop3A_448 = arith.addf %parallel_loop3A_428, %parallel_loop3A_447 : vector<16xf32>
        %parallel_loop3A_449 = arith.constant 1 : i32
        %parallel_loop3A_450 = vector.broadcast %parallel_loop3A_449 : i32 to vector<16xi32>
        %parallel_loop3A_451 = arith.addi %parallel_loop3A_436, %parallel_loop3A_450 : vector<16xi32>
        %parallel_loop3A_452 = tpu.vector_load_idx %arg6[%parallel_loop3A_451] : memref<16384xf32, #tpu.memory_space<vmem>>[vector<16xi32>], vector<16xf32>,
        %parallel_loop3A_453 = arith.constant 1 : i32
        %parallel_loop3A_454 = vector.broadcast %parallel_loop3A_453 : i32 to vector<16xi32>
        %parallel_loop3A_455 = arith.addi %parallel_loop3A_437, %parallel_loop3A_454 : vector<16xi32>
        %parallel_loop3A_456 = tpu.vector_load_idx %arg8[%parallel_loop3A_455] : memref<12800xf32, #tpu.memory_space<vmem>>[vector<16xi32>], vector<16xf32>,
        %parallel_loop3A_457 = arith.subf %parallel_loop3A_452, %parallel_loop3A_456 : vector<16xf32>
        %parallel_loop3A_458 = arith.mulf %parallel_loop3A_457, %parallel_loop3A_457 : vector<16xf32>
        %parallel_loop3A_459 = arith.addf %parallel_loop3A_429, %parallel_loop3A_458 : vector<16xf32>
        %parallel_loop3A_460 = arith.constant 2 : i32
        %parallel_loop3A_461 = vector.broadcast %parallel_loop3A_460 : i32 to vector<16xi32>
        %parallel_loop3A_462 = arith.addi %parallel_loop3A_436, %parallel_loop3A_461 : vector<16xi32>
        %parallel_loop3A_463 = tpu.vector_load_idx %arg6[%parallel_loop3A_462] : memref<16384xf32, #tpu.memory_space<vmem>>[vector<16xi32>], vector<16xf32>,
        %parallel_loop3A_464 = arith.constant 2 : i32
        %parallel_loop3A_465 = vector.broadcast %parallel_loop3A_464 : i32 to vector<16xi32>
        %parallel_loop3A_466 = arith.addi %parallel_loop3A_437, %parallel_loop3A_465 : vector<16xi32>
        %parallel_loop3A_467 = tpu.vector_load_idx %arg8[%parallel_loop3A_466] : memref<12800xf32, #tpu.memory_space<vmem>>[vector<16xi32>], vector<16xf32>,
        %parallel_loop3A_468 = arith.subf %parallel_loop3A_463, %parallel_loop3A_467 : vector<16xf32>
        %parallel_loop3A_469 = arith.mulf %parallel_loop3A_468, %parallel_loop3A_468 : vector<16xf32>
        %parallel_loop3A_470 = arith.addf %parallel_loop3A_430, %parallel_loop3A_469 : vector<16xf32>
        %parallel_loop3A_471 = arith.constant 3 : i32
        %parallel_loop3A_472 = vector.broadcast %parallel_loop3A_471 : i32 to vector<16xi32>
        %parallel_loop3A_473 = arith.addi %parallel_loop3A_436, %parallel_loop3A_472 : vector<16xi32>
        %parallel_loop3A_474 = tpu.vector_load_idx %arg6[%parallel_loop3A_473] : memref<16384xf32, #tpu.memory_space<vmem>>[vector<16xi32>], vector<16xf32>,
        %parallel_loop3A_475 = arith.constant 3 : i32
        %parallel_loop3A_476 = vector.broadcast %parallel_loop3A_475 : i32 to vector<16xi32>
        %parallel_loop3A_477 = arith.addi %parallel_loop3A_437, %parallel_loop3A_476 : vector<16xi32>
        %parallel_loop3A_478 = tpu.vector_load_idx %arg8[%parallel_loop3A_477] : memref<12800xf32, #tpu.memory_space<vmem>>[vector<16xi32>], vector<16xf32>,
        %parallel_loop3A_479 = arith.subf %parallel_loop3A_474, %parallel_loop3A_478 : vector<16xf32>
        %parallel_loop3A_480 = arith.mulf %parallel_loop3A_479, %parallel_loop3A_479 : vector<16xf32>
        %parallel_loop3A_481 = arith.addf %parallel_loop3A_431, %parallel_loop3A_480 : vector<16xf32>
        %parallel_loop3A_482 = arith.constant 4 : i32
        %parallel_loop3A_483 = vector.broadcast %parallel_loop3A_482 : i32 to vector<16xi32>
        %parallel_loop3A_484 = arith.addi %parallel_loop3A_436, %parallel_loop3A_483 : vector<16xi32>
        %parallel_loop3A_485 = tpu.vector_load_idx %arg6[%parallel_loop3A_484] : memref<16384xf32, #tpu.memory_space<vmem>>[vector<16xi32>], vector<16xf32>,
        %parallel_loop3A_486 = arith.constant 4 : i32
        %parallel_loop3A_487 = vector.broadcast %parallel_loop3A_486 : i32 to vector<16xi32>
        %parallel_loop3A_488 = arith.addi %parallel_loop3A_437, %parallel_loop3A_487 : vector<16xi32>
        %parallel_loop3A_489 = tpu.vector_load_idx %arg8[%parallel_loop3A_488] : memref<12800xf32, #tpu.memory_space<vmem>>[vector<16xi32>], vector<16xf32>,
        %parallel_loop3A_490 = arith.subf %parallel_loop3A_485, %parallel_loop3A_489 : vector<16xf32>
        %parallel_loop3A_491 = arith.mulf %parallel_loop3A_490, %parallel_loop3A_490 : vector<16xf32>
        %parallel_loop3A_492 = arith.addf %parallel_loop3A_432, %parallel_loop3A_491 : vector<16xf32>
        %parallel_loop3A_493 = arith.constant 5 : i32
        %parallel_loop3A_494 = vector.broadcast %parallel_loop3A_493 : i32 to vector<16xi32>
        %parallel_loop3A_495 = arith.addi %parallel_loop3A_436, %parallel_loop3A_494 : vector<16xi32>
        %parallel_loop3A_496 = tpu.vector_load_idx %arg6[%parallel_loop3A_495] : memref<16384xf32, #tpu.memory_space<vmem>>[vector<16xi32>], vector<16xf32>,
        %parallel_loop3A_497 = arith.constant 5 : i32
        %parallel_loop3A_498 = vector.broadcast %parallel_loop3A_497 : i32 to vector<16xi32>
        %parallel_loop3A_499 = arith.addi %parallel_loop3A_437, %parallel_loop3A_498 : vector<16xi32>
        %parallel_loop3A_500 = tpu.vector_load_idx %arg8[%parallel_loop3A_499] : memref<12800xf32, #tpu.memory_space<vmem>>[vector<16xi32>], vector<16xf32>,
        %parallel_loop3A_501 = arith.subf %parallel_loop3A_496, %parallel_loop3A_500 : vector<16xf32>
        %parallel_loop3A_502 = arith.mulf %parallel_loop3A_501, %parallel_loop3A_501 : vector<16xf32>
        %parallel_loop3A_503 = arith.addf %parallel_loop3A_433, %parallel_loop3A_502 : vector<16xf32>
        %parallel_loop3A_504 = arith.constant 6 : i32
        %parallel_loop3A_505 = vector.broadcast %parallel_loop3A_504 : i32 to vector<16xi32>
        %parallel_loop3A_506 = arith.addi %parallel_loop3A_436, %parallel_loop3A_505 : vector<16xi32>
        %parallel_loop3A_507 = tpu.vector_load_idx %arg6[%parallel_loop3A_506] : memref<16384xf32, #tpu.memory_space<vmem>>[vector<16xi32>], vector<16xf32>,
        %parallel_loop3A_508 = arith.constant 6 : i32
        %parallel_loop3A_509 = vector.broadcast %parallel_loop3A_508 : i32 to vector<16xi32>
        %parallel_loop3A_510 = arith.addi %parallel_loop3A_437, %parallel_loop3A_509 : vector<16xi32>
        %parallel_loop3A_511 = tpu.vector_load_idx %arg8[%parallel_loop3A_510] : memref<12800xf32, #tpu.memory_space<vmem>>[vector<16xi32>], vector<16xf32>,
        %parallel_loop3A_512 = arith.subf %parallel_loop3A_507, %parallel_loop3A_511 : vector<16xf32>
        %parallel_loop3A_513 = arith.mulf %parallel_loop3A_512, %parallel_loop3A_512 : vector<16xf32>
        %parallel_loop3A_514 = arith.addf %parallel_loop3A_434, %parallel_loop3A_513 : vector<16xf32>
        %parallel_loop3A_515 = arith.constant 7 : i32
        %parallel_loop3A_516 = vector.broadcast %parallel_loop3A_515 : i32 to vector<16xi32>
        %parallel_loop3A_517 = arith.addi %parallel_loop3A_436, %parallel_loop3A_516 : vector<16xi32>
        %parallel_loop3A_518 = tpu.vector_load_idx %arg6[%parallel_loop3A_517] : memref<16384xf32, #tpu.memory_space<vmem>>[vector<16xi32>], vector<16xf32>,
        %parallel_loop3A_519 = arith.constant 7 : i32
        %parallel_loop3A_520 = vector.broadcast %parallel_loop3A_519 : i32 to vector<16xi32>
        %parallel_loop3A_521 = arith.addi %parallel_loop3A_437, %parallel_loop3A_520 : vector<16xi32>
        %parallel_loop3A_522 = tpu.vector_load_idx %arg8[%parallel_loop3A_521] : memref<12800xf32, #tpu.memory_space<vmem>>[vector<16xi32>], vector<16xf32>,
        %parallel_loop3A_523 = arith.subf %parallel_loop3A_518, %parallel_loop3A_522 : vector<16xf32>
        %parallel_loop3A_524 = arith.mulf %parallel_loop3A_523, %parallel_loop3A_523 : vector<16xf32>
        %parallel_loop3A_525 = arith.addf %parallel_loop3A_435, %parallel_loop3A_524 : vector<16xf32>
        %parallel_loop3A_526 = arith.constant 8 : i32
        %parallel_loop3A_527 = vector.broadcast %parallel_loop3A_526 : i32 to vector<16xi32>
        %parallel_loop3A_528 = arith.addi %parallel_loop3A_436, %parallel_loop3A_527 : vector<16xi32>
        %parallel_loop3A_529 = arith.constant 8 : i32
        %parallel_loop3A_530 = vector.broadcast %parallel_loop3A_529 : i32 to vector<16xi32>
        %parallel_loop3A_531 = arith.addi %parallel_loop3A_437, %parallel_loop3A_530 : vector<16xi32>
        scf.yield %parallel_loop3A_448, %parallel_loop3A_459, %parallel_loop3A_470, %parallel_loop3A_481, %parallel_loop3A_492, %parallel_loop3A_503, %parallel_loop3A_514, %parallel_loop3A_525, %parallel_loop3A_528, %parallel_loop3A_531 : vector<16xf32>, vector<16xf32>, vector<16xf32>, vector<16xf32>, vector<16xf32>, vector<16xf32>, vector<16xf32>, vector<16xf32>, vector<16xi32>, vector<16xi32>
      } {sc.loop_unroll_factor = 1 : i64, sc.parallel_access}
      %mul3A_75 = arith.constant 2048 : i32
      %mul3A_76 = arith.muli %scan3A_56, %mul3A_75 : i32
      %mul3A_77 = arith.constant 128 : i32
      %mul3A_78 = vector.broadcast %mul3A_77 : i32 to vector<16xi32>
      %mul3A_79 = arith.muli %iota3A, %mul3A_78 : vector<16xi32>
      %add3A_80 = vector.broadcast %mul3A_76 : i32 to vector<16xi32>
      %add3A_81 = arith.addi %add3A_80, %mul3A_79 : vector<16xi32>
      %add3A_82 = arith.constant 112 : i32
      %add3A_83 = vector.broadcast %add3A_82 : i32 to vector<16xi32>
      %add3A_84 = arith.addi %iota3A, %add3A_83 : vector<16xi32>
      %add3A_85 = arith.constant 0 : i32
      %add3A_86 = vector.broadcast %add3A_85 : i32 to vector<16xi32>
      %add3A_87 = arith.addi %add3A_84, %add3A_86 : vector<16xi32>
      %and3A = arith.constant 127 : i32
      %and3A_88 = vector.broadcast %and3A : i32 to vector<16xi32>
      %and3A_89 = arith.andi %add3A_87, %and3A_88 : vector<16xi32>
      %add3A_90 = arith.addi %add3A_81, %and3A_89 : vector<16xi32>
      %gather3A = tpu.vector_load_idx %arg6[%add3A_90] : memref<16384xf32, #tpu.memory_space<vmem>>[vector<16xi32>], vector<16xf32>,
      %mul3A_91 = arith.constant 128 : i32
      %mul3A_92 = vector.broadcast %mul3A_91 : i32 to vector<16xi32>
      %mul3A_93 = arith.muli %get3A_60, %mul3A_92 : vector<16xi32>
      %add3A_94 = arith.addi %mul3A_93, %and3A_89 : vector<16xi32>
      %gather3A_95 = tpu.vector_load_idx %arg8[%add3A_94] : memref<12800xf32, #tpu.memory_space<vmem>>[vector<16xi32>], vector<16xf32>,
      %sub3A = arith.subf %gather3A, %gather3A_95 : vector<16xf32>
      %mul3A_96 = arith.mulf %sub3A, %sub3A : vector<16xf32>
      %add3A_97 = arith.addf %parallel_loop3A_74#0, %mul3A_96 : vector<16xf32>
      %add3A_98 = arith.constant 112 : i32
      %add3A_99 = vector.broadcast %add3A_98 : i32 to vector<16xi32>
      %add3A_100 = arith.addi %iota3A, %add3A_99 : vector<16xi32>
      %add3A_101 = arith.constant 1 : i32
      %add3A_102 = vector.broadcast %add3A_101 : i32 to vector<16xi32>
      %add3A_103 = arith.addi %add3A_100, %add3A_102 : vector<16xi32>
      %and3A_104 = arith.constant 127 : i32
      %and3A_105 = vector.broadcast %and3A_104 : i32 to vector<16xi32>
      %and3A_106 = arith.andi %add3A_103, %and3A_105 : vector<16xi32>
      %add3A_107 = arith.addi %add3A_81, %and3A_106 : vector<16xi32>
      %gather3A_108 = tpu.vector_load_idx %arg6[%add3A_107] : memref<16384xf32, #tpu.memory_space<vmem>>[vector<16xi32>], vector<16xf32>,
      %mul3A_109 = arith.constant 128 : i32
      %mul3A_110 = vector.broadcast %mul3A_109 : i32 to vector<16xi32>
      %mul3A_111 = arith.muli %get3A_60, %mul3A_110 : vector<16xi32>
      %add3A_112 = arith.addi %mul3A_111, %and3A_106 : vector<16xi32>
      %gather3A_113 = tpu.vector_load_idx %arg8[%add3A_112] : memref<12800xf32, #tpu.memory_space<vmem>>[vector<16xi32>], vector<16xf32>,
      %sub3A_114 = arith.subf %gather3A_108, %gather3A_113 : vector<16xf32>
      %mul3A_115 = arith.mulf %sub3A_114, %sub3A_114 : vector<16xf32>
      %add3A_116 = arith.addf %parallel_loop3A_74#1, %mul3A_115 : vector<16xf32>
      %add3A_117 = arith.constant 112 : i32
      %add3A_118 = vector.broadcast %add3A_117 : i32 to vector<16xi32>
      %add3A_119 = arith.addi %iota3A, %add3A_118 : vector<16xi32>
      %add3A_120 = arith.constant 2 : i32
      %add3A_121 = vector.broadcast %add3A_120 : i32 to vector<16xi32>
      %add3A_122 = arith.addi %add3A_119, %add3A_121 : vector<16xi32>
      %and3A_123 = arith.constant 127 : i32
      %and3A_124 = vector.broadcast %and3A_123 : i32 to vector<16xi32>
      %and3A_125 = arith.andi %add3A_122, %and3A_124 : vector<16xi32>
      %add3A_126 = arith.addi %add3A_81, %and3A_125 : vector<16xi32>
      %gather3A_127 = tpu.vector_load_idx %arg6[%add3A_126] : memref<16384xf32, #tpu.memory_space<vmem>>[vector<16xi32>], vector<16xf32>,
      %mul3A_128 = arith.constant 128 : i32
      %mul3A_129 = vector.broadcast %mul3A_128 : i32 to vector<16xi32>
      %mul3A_130 = arith.muli %get3A_60, %mul3A_129 : vector<16xi32>
      %add3A_131 = arith.addi %mul3A_130, %and3A_125 : vector<16xi32>
      %gather3A_132 = tpu.vector_load_idx %arg8[%add3A_131] : memref<12800xf32, #tpu.memory_space<vmem>>[vector<16xi32>], vector<16xf32>,
      %sub3A_133 = arith.subf %gather3A_127, %gather3A_132 : vector<16xf32>
      %mul3A_134 = arith.mulf %sub3A_133, %sub3A_133 : vector<16xf32>
      %add3A_135 = arith.addf %parallel_loop3A_74#2, %mul3A_134 : vector<16xf32>
      %add3A_136 = arith.constant 112 : i32
      %add3A_137 = vector.broadcast %add3A_136 : i32 to vector<16xi32>
      %add3A_138 = arith.addi %iota3A, %add3A_137 : vector<16xi32>
      %add3A_139 = arith.constant 3 : i32
      %add3A_140 = vector.broadcast %add3A_139 : i32 to vector<16xi32>
      %add3A_141 = arith.addi %add3A_138, %add3A_140 : vector<16xi32>
      %and3A_142 = arith.constant 127 : i32
      %and3A_143 = vector.broadcast %and3A_142 : i32 to vector<16xi32>
      %and3A_144 = arith.andi %add3A_141, %and3A_143 : vector<16xi32>
      %add3A_145 = arith.addi %add3A_81, %and3A_144 : vector<16xi32>
      %gather3A_146 = tpu.vector_load_idx %arg6[%add3A_145] : memref<16384xf32, #tpu.memory_space<vmem>>[vector<16xi32>], vector<16xf32>,
      %mul3A_147 = arith.constant 128 : i32
      %mul3A_148 = vector.broadcast %mul3A_147 : i32 to vector<16xi32>
      %mul3A_149 = arith.muli %get3A_60, %mul3A_148 : vector<16xi32>
      %add3A_150 = arith.addi %mul3A_149, %and3A_144 : vector<16xi32>
      %gather3A_151 = tpu.vector_load_idx %arg8[%add3A_150] : memref<12800xf32, #tpu.memory_space<vmem>>[vector<16xi32>], vector<16xf32>,
      %sub3A_152 = arith.subf %gather3A_146, %gather3A_151 : vector<16xf32>
      %mul3A_153 = arith.mulf %sub3A_152, %sub3A_152 : vector<16xf32>
      %add3A_154 = arith.addf %parallel_loop3A_74#3, %mul3A_153 : vector<16xf32>
      %add3A_155 = arith.constant 112 : i32
      %add3A_156 = vector.broadcast %add3A_155 : i32 to vector<16xi32>
      %add3A_157 = arith.addi %iota3A, %add3A_156 : vector<16xi32>
      %add3A_158 = arith.constant 4 : i32
      %add3A_159 = vector.broadcast %add3A_158 : i32 to vector<16xi32>
      %add3A_160 = arith.addi %add3A_157, %add3A_159 : vector<16xi32>
      %and3A_161 = arith.constant 127 : i32
      %and3A_162 = vector.broadcast %and3A_161 : i32 to vector<16xi32>
      %and3A_163 = arith.andi %add3A_160, %and3A_162 : vector<16xi32>
      %add3A_164 = arith.addi %add3A_81, %and3A_163 : vector<16xi32>
      %gather3A_165 = tpu.vector_load_idx %arg6[%add3A_164] : memref<16384xf32, #tpu.memory_space<vmem>>[vector<16xi32>], vector<16xf32>,
      %mul3A_166 = arith.constant 128 : i32
      %mul3A_167 = vector.broadcast %mul3A_166 : i32 to vector<16xi32>
      %mul3A_168 = arith.muli %get3A_60, %mul3A_167 : vector<16xi32>
      %add3A_169 = arith.addi %mul3A_168, %and3A_163 : vector<16xi32>
      %gather3A_170 = tpu.vector_load_idx %arg8[%add3A_169] : memref<12800xf32, #tpu.memory_space<vmem>>[vector<16xi32>], vector<16xf32>,
      %sub3A_171 = arith.subf %gather3A_165, %gather3A_170 : vector<16xf32>
      %mul3A_172 = arith.mulf %sub3A_171, %sub3A_171 : vector<16xf32>
      %add3A_173 = arith.addf %parallel_loop3A_74#4, %mul3A_172 : vector<16xf32>
      %add3A_174 = arith.constant 112 : i32
      %add3A_175 = vector.broadcast %add3A_174 : i32 to vector<16xi32>
      %add3A_176 = arith.addi %iota3A, %add3A_175 : vector<16xi32>
      %add3A_177 = arith.constant 5 : i32
      %add3A_178 = vector.broadcast %add3A_177 : i32 to vector<16xi32>
      %add3A_179 = arith.addi %add3A_176, %add3A_178 : vector<16xi32>
      %and3A_180 = arith.constant 127 : i32
      %and3A_181 = vector.broadcast %and3A_180 : i32 to vector<16xi32>
      %and3A_182 = arith.andi %add3A_179, %and3A_181 : vector<16xi32>
      %add3A_183 = arith.addi %add3A_81, %and3A_182 : vector<16xi32>
      %gather3A_184 = tpu.vector_load_idx %arg6[%add3A_183] : memref<16384xf32, #tpu.memory_space<vmem>>[vector<16xi32>], vector<16xf32>,
      %mul3A_185 = arith.constant 128 : i32
      %mul3A_186 = vector.broadcast %mul3A_185 : i32 to vector<16xi32>
      %mul3A_187 = arith.muli %get3A_60, %mul3A_186 : vector<16xi32>
      %add3A_188 = arith.addi %mul3A_187, %and3A_182 : vector<16xi32>
      %gather3A_189 = tpu.vector_load_idx %arg8[%add3A_188] : memref<12800xf32, #tpu.memory_space<vmem>>[vector<16xi32>], vector<16xf32>,
      %sub3A_190 = arith.subf %gather3A_184, %gather3A_189 : vector<16xf32>
      %mul3A_191 = arith.mulf %sub3A_190, %sub3A_190 : vector<16xf32>
      %add3A_192 = arith.addf %parallel_loop3A_74#5, %mul3A_191 : vector<16xf32>
      %add3A_193 = arith.constant 112 : i32
      %add3A_194 = vector.broadcast %add3A_193 : i32 to vector<16xi32>
      %add3A_195 = arith.addi %iota3A, %add3A_194 : vector<16xi32>
      %add3A_196 = arith.constant 6 : i32
      %add3A_197 = vector.broadcast %add3A_196 : i32 to vector<16xi32>
      %add3A_198 = arith.addi %add3A_195, %add3A_197 : vector<16xi32>
      %and3A_199 = arith.constant 127 : i32
      %and3A_200 = vector.broadcast %and3A_199 : i32 to vector<16xi32>
      %and3A_201 = arith.andi %add3A_198, %and3A_200 : vector<16xi32>
      %add3A_202 = arith.addi %add3A_81, %and3A_201 : vector<16xi32>
      %gather3A_203 = tpu.vector_load_idx %arg6[%add3A_202] : memref<16384xf32, #tpu.memory_space<vmem>>[vector<16xi32>], vector<16xf32>,
      %mul3A_204 = arith.constant 128 : i32
      %mul3A_205 = vector.broadcast %mul3A_204 : i32 to vector<16xi32>
      %mul3A_206 = arith.muli %get3A_60, %mul3A_205 : vector<16xi32>
      %add3A_207 = arith.addi %mul3A_206, %and3A_201 : vector<16xi32>
      %gather3A_208 = tpu.vector_load_idx %arg8[%add3A_207] : memref<12800xf32, #tpu.memory_space<vmem>>[vector<16xi32>], vector<16xf32>,
      %sub3A_209 = arith.subf %gather3A_203, %gather3A_208 : vector<16xf32>
      %mul3A_210 = arith.mulf %sub3A_209, %sub3A_209 : vector<16xf32>
      %add3A_211 = arith.addf %parallel_loop3A_74#6, %mul3A_210 : vector<16xf32>
      %add3A_212 = arith.constant 112 : i32
      %add3A_213 = vector.broadcast %add3A_212 : i32 to vector<16xi32>
      %add3A_214 = arith.addi %iota3A, %add3A_213 : vector<16xi32>
      %add3A_215 = arith.constant 7 : i32
      %add3A_216 = vector.broadcast %add3A_215 : i32 to vector<16xi32>
      %add3A_217 = arith.addi %add3A_214, %add3A_216 : vector<16xi32>
      %and3A_218 = arith.constant 127 : i32
      %and3A_219 = vector.broadcast %and3A_218 : i32 to vector<16xi32>
      %and3A_220 = arith.andi %add3A_217, %and3A_219 : vector<16xi32>
      %add3A_221 = arith.addi %add3A_81, %and3A_220 : vector<16xi32>
      %gather3A_222 = tpu.vector_load_idx %arg6[%add3A_221] : memref<16384xf32, #tpu.memory_space<vmem>>[vector<16xi32>], vector<16xf32>,
      %mul3A_223 = arith.constant 128 : i32
      %mul3A_224 = vector.broadcast %mul3A_223 : i32 to vector<16xi32>
      %mul3A_225 = arith.muli %get3A_60, %mul3A_224 : vector<16xi32>
      %add3A_226 = arith.addi %mul3A_225, %and3A_220 : vector<16xi32>
      %gather3A_227 = tpu.vector_load_idx %arg8[%add3A_226] : memref<12800xf32, #tpu.memory_space<vmem>>[vector<16xi32>], vector<16xf32>,
      %sub3A_228 = arith.subf %gather3A_222, %gather3A_227 : vector<16xf32>
      %mul3A_229 = arith.mulf %sub3A_228, %sub3A_228 : vector<16xf32>
      %add3A_230 = arith.addf %parallel_loop3A_74#7, %mul3A_229 : vector<16xf32>
      %add3A_231 = arith.constant 112 : i32
      %add3A_232 = vector.broadcast %add3A_231 : i32 to vector<16xi32>
      %add3A_233 = arith.addi %iota3A, %add3A_232 : vector<16xi32>
      %add3A_234 = arith.constant 8 : i32
      %add3A_235 = vector.broadcast %add3A_234 : i32 to vector<16xi32>
      %add3A_236 = arith.addi %add3A_233, %add3A_235 : vector<16xi32>
      %and3A_237 = arith.constant 127 : i32
      %and3A_238 = vector.broadcast %and3A_237 : i32 to vector<16xi32>
      %and3A_239 = arith.andi %add3A_236, %and3A_238 : vector<16xi32>
      %add3A_240 = arith.addi %add3A_81, %and3A_239 : vector<16xi32>
      %gather3A_241 = tpu.vector_load_idx %arg6[%add3A_240] : memref<16384xf32, #tpu.memory_space<vmem>>[vector<16xi32>], vector<16xf32>,
      %mul3A_242 = arith.constant 128 : i32
      %mul3A_243 = vector.broadcast %mul3A_242 : i32 to vector<16xi32>
      %mul3A_244 = arith.muli %get3A_60, %mul3A_243 : vector<16xi32>
      %add3A_245 = arith.addi %mul3A_244, %and3A_239 : vector<16xi32>
      %gather3A_246 = tpu.vector_load_idx %arg8[%add3A_245] : memref<12800xf32, #tpu.memory_space<vmem>>[vector<16xi32>], vector<16xf32>,
      %sub3A_247 = arith.subf %gather3A_241, %gather3A_246 : vector<16xf32>
      %mul3A_248 = arith.mulf %sub3A_247, %sub3A_247 : vector<16xf32>
      %add3A_249 = arith.addf %add3A_97, %mul3A_248 : vector<16xf32>
      %add3A_250 = arith.constant 112 : i32
      %add3A_251 = vector.broadcast %add3A_250 : i32 to vector<16xi32>
      %add3A_252 = arith.addi %iota3A, %add3A_251 : vector<16xi32>
      %add3A_253 = arith.constant 9 : i32
      %add3A_254 = vector.broadcast %add3A_253 : i32 to vector<16xi32>
      %add3A_255 = arith.addi %add3A_252, %add3A_254 : vector<16xi32>
      %and3A_256 = arith.constant 127 : i32
      %and3A_257 = vector.broadcast %and3A_256 : i32 to vector<16xi32>
      %and3A_258 = arith.andi %add3A_255, %and3A_257 : vector<16xi32>
      %add3A_259 = arith.addi %add3A_81, %and3A_258 : vector<16xi32>
      %gather3A_260 = tpu.vector_load_idx %arg6[%add3A_259] : memref<16384xf32, #tpu.memory_space<vmem>>[vector<16xi32>], vector<16xf32>,
      %mul3A_261 = arith.constant 128 : i32
      %mul3A_262 = vector.broadcast %mul3A_261 : i32 to vector<16xi32>
      %mul3A_263 = arith.muli %get3A_60, %mul3A_262 : vector<16xi32>
      %add3A_264 = arith.addi %mul3A_263, %and3A_258 : vector<16xi32>
      %gather3A_265 = tpu.vector_load_idx %arg8[%add3A_264] : memref<12800xf32, #tpu.memory_space<vmem>>[vector<16xi32>], vector<16xf32>,
      %sub3A_266 = arith.subf %gather3A_260, %gather3A_265 : vector<16xf32>
      %mul3A_267 = arith.mulf %sub3A_266, %sub3A_266 : vector<16xf32>
      %add3A_268 = arith.addf %add3A_116, %mul3A_267 : vector<16xf32>
      %add3A_269 = arith.constant 112 : i32
      %add3A_270 = vector.broadcast %add3A_269 : i32 to vector<16xi32>
      %add3A_271 = arith.addi %iota3A, %add3A_270 : vector<16xi32>
      %add3A_272 = arith.constant 10 : i32
      %add3A_273 = vector.broadcast %add3A_272 : i32 to vector<16xi32>
      %add3A_274 = arith.addi %add3A_271, %add3A_273 : vector<16xi32>
      %and3A_275 = arith.constant 127 : i32
      %and3A_276 = vector.broadcast %and3A_275 : i32 to vector<16xi32>
      %and3A_277 = arith.andi %add3A_274, %and3A_276 : vector<16xi32>
      %add3A_278 = arith.addi %add3A_81, %and3A_277 : vector<16xi32>
      %gather3A_279 = tpu.vector_load_idx %arg6[%add3A_278] : memref<16384xf32, #tpu.memory_space<vmem>>[vector<16xi32>], vector<16xf32>,
      %mul3A_280 = arith.constant 128 : i32
      %mul3A_281 = vector.broadcast %mul3A_280 : i32 to vector<16xi32>
      %mul3A_282 = arith.muli %get3A_60, %mul3A_281 : vector<16xi32>
      %add3A_283 = arith.addi %mul3A_282, %and3A_277 : vector<16xi32>
      %gather3A_284 = tpu.vector_load_idx %arg8[%add3A_283] : memref<12800xf32, #tpu.memory_space<vmem>>[vector<16xi32>], vector<16xf32>,
      %sub3A_285 = arith.subf %gather3A_279, %gather3A_284 : vector<16xf32>
      %mul3A_286 = arith.mulf %sub3A_285, %sub3A_285 : vector<16xf32>
      %add3A_287 = arith.addf %add3A_135, %mul3A_286 : vector<16xf32>
      %add3A_288 = arith.constant 112 : i32
      %add3A_289 = vector.broadcast %add3A_288 : i32 to vector<16xi32>
      %add3A_290 = arith.addi %iota3A, %add3A_289 : vector<16xi32>
      %add3A_291 = arith.constant 11 : i32
      %add3A_292 = vector.broadcast %add3A_291 : i32 to vector<16xi32>
      %add3A_293 = arith.addi %add3A_290, %add3A_292 : vector<16xi32>
      %and3A_294 = arith.constant 127 : i32
      %and3A_295 = vector.broadcast %and3A_294 : i32 to vector<16xi32>
      %and3A_296 = arith.andi %add3A_293, %and3A_295 : vector<16xi32>
      %add3A_297 = arith.addi %add3A_81, %and3A_296 : vector<16xi32>
      %gather3A_298 = tpu.vector_load_idx %arg6[%add3A_297] : memref<16384xf32, #tpu.memory_space<vmem>>[vector<16xi32>], vector<16xf32>,
      %mul3A_299 = arith.constant 128 : i32
      %mul3A_300 = vector.broadcast %mul3A_299 : i32 to vector<16xi32>
      %mul3A_301 = arith.muli %get3A_60, %mul3A_300 : vector<16xi32>
      %add3A_302 = arith.addi %mul3A_301, %and3A_296 : vector<16xi32>
      %gather3A_303 = tpu.vector_load_idx %arg8[%add3A_302] : memref<12800xf32, #tpu.memory_space<vmem>>[vector<16xi32>], vector<16xf32>,
      %sub3A_304 = arith.subf %gather3A_298, %gather3A_303 : vector<16xf32>
      %mul3A_305 = arith.mulf %sub3A_304, %sub3A_304 : vector<16xf32>
      %add3A_306 = arith.addf %add3A_154, %mul3A_305 : vector<16xf32>
      %add3A_307 = arith.constant 112 : i32
      %add3A_308 = vector.broadcast %add3A_307 : i32 to vector<16xi32>
      %add3A_309 = arith.addi %iota3A, %add3A_308 : vector<16xi32>
      %add3A_310 = arith.constant 12 : i32
      %add3A_311 = vector.broadcast %add3A_310 : i32 to vector<16xi32>
      %add3A_312 = arith.addi %add3A_309, %add3A_311 : vector<16xi32>
      %and3A_313 = arith.constant 127 : i32
      %and3A_314 = vector.broadcast %and3A_313 : i32 to vector<16xi32>
      %and3A_315 = arith.andi %add3A_312, %and3A_314 : vector<16xi32>
      %add3A_316 = arith.addi %add3A_81, %and3A_315 : vector<16xi32>
      %gather3A_317 = tpu.vector_load_idx %arg6[%add3A_316] : memref<16384xf32, #tpu.memory_space<vmem>>[vector<16xi32>], vector<16xf32>,
      %mul3A_318 = arith.constant 128 : i32
      %mul3A_319 = vector.broadcast %mul3A_318 : i32 to vector<16xi32>
      %mul3A_320 = arith.muli %get3A_60, %mul3A_319 : vector<16xi32>
      %add3A_321 = arith.addi %mul3A_320, %and3A_315 : vector<16xi32>
      %gather3A_322 = tpu.vector_load_idx %arg8[%add3A_321] : memref<12800xf32, #tpu.memory_space<vmem>>[vector<16xi32>], vector<16xf32>,
      %sub3A_323 = arith.subf %gather3A_317, %gather3A_322 : vector<16xf32>
      %mul3A_324 = arith.mulf %sub3A_323, %sub3A_323 : vector<16xf32>
      %add3A_325 = arith.addf %add3A_173, %mul3A_324 : vector<16xf32>
      %add3A_326 = arith.constant 112 : i32
      %add3A_327 = vector.broadcast %add3A_326 : i32 to vector<16xi32>
      %add3A_328 = arith.addi %iota3A, %add3A_327 : vector<16xi32>
      %add3A_329 = arith.constant 13 : i32
      %add3A_330 = vector.broadcast %add3A_329 : i32 to vector<16xi32>
      %add3A_331 = arith.addi %add3A_328, %add3A_330 : vector<16xi32>
      %and3A_332 = arith.constant 127 : i32
      %and3A_333 = vector.broadcast %and3A_332 : i32 to vector<16xi32>
      %and3A_334 = arith.andi %add3A_331, %and3A_333 : vector<16xi32>
      %add3A_335 = arith.addi %add3A_81, %and3A_334 : vector<16xi32>
      %gather3A_336 = tpu.vector_load_idx %arg6[%add3A_335] : memref<16384xf32, #tpu.memory_space<vmem>>[vector<16xi32>], vector<16xf32>,
      %mul3A_337 = arith.constant 128 : i32
      %mul3A_338 = vector.broadcast %mul3A_337 : i32 to vector<16xi32>
      %mul3A_339 = arith.muli %get3A_60, %mul3A_338 : vector<16xi32>
      %add3A_340 = arith.addi %mul3A_339, %and3A_334 : vector<16xi32>
      %gather3A_341 = tpu.vector_load_idx %arg8[%add3A_340] : memref<12800xf32, #tpu.memory_space<vmem>>[vector<16xi32>], vector<16xf32>,
      %sub3A_342 = arith.subf %gather3A_336, %gather3A_341 : vector<16xf32>
      %mul3A_343 = arith.mulf %sub3A_342, %sub3A_342 : vector<16xf32>
      %add3A_344 = arith.addf %add3A_192, %mul3A_343 : vector<16xf32>
      %add3A_345 = arith.constant 112 : i32
      %add3A_346 = vector.broadcast %add3A_345 : i32 to vector<16xi32>
      %add3A_347 = arith.addi %iota3A, %add3A_346 : vector<16xi32>
      %add3A_348 = arith.constant 14 : i32
      %add3A_349 = vector.broadcast %add3A_348 : i32 to vector<16xi32>
      %add3A_350 = arith.addi %add3A_347, %add3A_349 : vector<16xi32>
      %and3A_351 = arith.constant 127 : i32
      %and3A_352 = vector.broadcast %and3A_351 : i32 to vector<16xi32>
      %and3A_353 = arith.andi %add3A_350, %and3A_352 : vector<16xi32>
      %add3A_354 = arith.addi %add3A_81, %and3A_353 : vector<16xi32>
      %gather3A_355 = tpu.vector_load_idx %arg6[%add3A_354] : memref<16384xf32, #tpu.memory_space<vmem>>[vector<16xi32>], vector<16xf32>,
      %mul3A_356 = arith.constant 128 : i32
      %mul3A_357 = vector.broadcast %mul3A_356 : i32 to vector<16xi32>
      %mul3A_358 = arith.muli %get3A_60, %mul3A_357 : vector<16xi32>
      %add3A_359 = arith.addi %mul3A_358, %and3A_353 : vector<16xi32>
      %gather3A_360 = tpu.vector_load_idx %arg8[%add3A_359] : memref<12800xf32, #tpu.memory_space<vmem>>[vector<16xi32>], vector<16xf32>,
      %sub3A_361 = arith.subf %gather3A_355, %gather3A_360 : vector<16xf32>
      %mul3A_362 = arith.mulf %sub3A_361, %sub3A_361 : vector<16xf32>
      %add3A_363 = arith.addf %add3A_211, %mul3A_362 : vector<16xf32>
      %add3A_364 = arith.constant 112 : i32
      %add3A_365 = vector.broadcast %add3A_364 : i32 to vector<16xi32>
      %add3A_366 = arith.addi %iota3A, %add3A_365 : vector<16xi32>
      %add3A_367 = arith.constant 15 : i32
      %add3A_368 = vector.broadcast %add3A_367 : i32 to vector<16xi32>
      %add3A_369 = arith.addi %add3A_366, %add3A_368 : vector<16xi32>
      %and3A_370 = arith.constant 127 : i32
      %and3A_371 = vector.broadcast %and3A_370 : i32 to vector<16xi32>
      %and3A_372 = arith.andi %add3A_369, %and3A_371 : vector<16xi32>
      %add3A_373 = arith.addi %add3A_81, %and3A_372 : vector<16xi32>
      %gather3A_374 = tpu.vector_load_idx %arg6[%add3A_373] : memref<16384xf32, #tpu.memory_space<vmem>>[vector<16xi32>], vector<16xf32>,
      %mul3A_375 = arith.constant 128 : i32
      %mul3A_376 = vector.broadcast %mul3A_375 : i32 to vector<16xi32>
      %mul3A_377 = arith.muli %get3A_60, %mul3A_376 : vector<16xi32>
      %add3A_378 = arith.addi %mul3A_377, %and3A_372 : vector<16xi32>
      %gather3A_379 = tpu.vector_load_idx %arg8[%add3A_378] : memref<12800xf32, #tpu.memory_space<vmem>>[vector<16xi32>], vector<16xf32>,
      %sub3A_380 = arith.subf %gather3A_374, %gather3A_379 : vector<16xf32>
      %mul3A_381 = arith.mulf %sub3A_380, %sub3A_380 : vector<16xf32>
      %add3A_382 = arith.addf %add3A_230, %mul3A_381 : vector<16xf32>
      %add3A_383 = arith.addf %add3A_249, %add3A_268 : vector<16xf32>
      %add3A_384 = arith.addf %add3A_287, %add3A_306 : vector<16xf32>
      %add3A_385 = arith.addf %add3A_383, %add3A_384 : vector<16xf32>
      %add3A_386 = arith.addf %add3A_325, %add3A_344 : vector<16xf32>
      %add3A_387 = arith.addf %add3A_363, %add3A_382 : vector<16xf32>
      %add3A_388 = arith.addf %add3A_386, %add3A_387 : vector<16xf32>
      %add3A_389 = arith.addf %add3A_385, %add3A_388 : vector<16xf32>
      %max3A = arith.constant 1.000000e-30 : f32
      %max3A_390 = vector.broadcast %max3A : f32 to vector<16xf32>
      %max3A_391 = arith.maximumf %add3A_389, %max3A_390 : vector<16xf32>
      %bitcast_convert_type3A = tpu.bitcast %max3A_391 : vector<16xf32> -> vector<16xi32>
      %shift_right_logical3A = arith.constant 1 : i32
      %shift_right_logical3A_392 = vector.broadcast %shift_right_logical3A : i32 to vector<16xi32>
      %shift_right_logical3A_393 = arith.shrui %bitcast_convert_type3A, %shift_right_logical3A_392 : vector<16xi32>
      %sub3A_394 = arith.constant 1597463007 : i32
      %sub3A_395 = vector.broadcast %sub3A_394 : i32 to vector<16xi32>
      %sub3A_396 = arith.subi %sub3A_395, %shift_right_logical3A_393 : vector<16xi32>
      %bitcast_convert_type3A_397 = tpu.bitcast %sub3A_396 : vector<16xi32> -> vector<16xf32>
      %mul3A_398 = arith.constant 5.000000e-01 : f32
      %mul3A_399 = vector.broadcast %mul3A_398 : f32 to vector<16xf32>
      %mul3A_400 = arith.mulf %mul3A_399, %max3A_391 : vector<16xf32>
      %mul3A_401 = arith.mulf %mul3A_400, %bitcast_convert_type3A_397 : vector<16xf32>
      %mul3A_402 = arith.mulf %mul3A_401, %bitcast_convert_type3A_397 : vector<16xf32>
      %sub3A_403 = arith.constant 1.500000e+00 : f32
      %sub3A_404 = vector.broadcast %sub3A_403 : f32 to vector<16xf32>
      %sub3A_405 = arith.subf %sub3A_404, %mul3A_402 : vector<16xf32>
      %mul3A_406 = arith.mulf %bitcast_convert_type3A_397, %sub3A_405 : vector<16xf32>
      %mul3A_407 = arith.constant 5.000000e-01 : f32
      %mul3A_408 = vector.broadcast %mul3A_407 : f32 to vector<16xf32>
      %mul3A_409 = arith.mulf %mul3A_408, %max3A_391 : vector<16xf32>
      %mul3A_410 = arith.mulf %mul3A_409, %mul3A_406 : vector<16xf32>
      %mul3A_411 = arith.mulf %mul3A_410, %mul3A_406 : vector<16xf32>
      %sub3A_412 = arith.constant 1.500000e+00 : f32
      %sub3A_413 = vector.broadcast %sub3A_412 : f32 to vector<16xf32>
      %sub3A_414 = arith.subf %sub3A_413, %mul3A_411 : vector<16xf32>
      %mul3A_415 = arith.mulf %mul3A_406, %sub3A_414 : vector<16xf32>
      %mul3A_416 = arith.constant 5.000000e-01 : f32
      %mul3A_417 = vector.broadcast %mul3A_416 : f32 to vector<16xf32>
      %mul3A_418 = arith.mulf %mul3A_417, %max3A_391 : vector<16xf32>
      %mul3A_419 = arith.mulf %mul3A_418, %mul3A_415 : vector<16xf32>
      %mul3A_420 = arith.mulf %mul3A_419, %mul3A_415 : vector<16xf32>
      %sub3A_421 = arith.constant 1.500000e+00 : f32
      %sub3A_422 = vector.broadcast %sub3A_421 : f32 to vector<16xf32>
      %sub3A_423 = arith.subf %sub3A_422, %mul3A_420 : vector<16xf32>
      %mul3A_424 = arith.mulf %mul3A_415, %sub3A_423 : vector<16xf32>
      %mul3A_425 = arith.mulf %max3A_391, %mul3A_424 : vector<16xf32>
      %add3A_426 = arith.addf %scan3A_57, %mul3A_425 : vector<16xf32>
      scf.yield %add3A_426 : vector<16xf32>
    }
    %scan3A_52 = arith.constant 4 : i32
    %swap3A = arith.constant 0 : index
    %swap3A_53 = tpu.vector_load %arg9[%swap3A] {strides = array<i32>} : memref<16xf32, #tpu.memory_space<vmem>>, vector<16xf32>,
    tpu.vector_store %arg9[%swap3A], %scan3A_51 {strides = array<i32>} : memref<16xf32, #tpu.memory_space<vmem>>, vector<16xf32>,
    %mul3A_54 = arith.constant 16 : i32
    %mul3A_55 = arith.muli %add3A, %mul3A_54 : i32
    "tpu.region"() ({
      %run_scoped3A = tpu.sem_alloc : memref<!tpu.dma_semaphore, #tpu.memory_space<semaphore_mem>>
      %dma_start3A_56 = tpu.memref_slice %arg5[%mul3A_55] : memref<512xf32, #tpu.memory_space<hbm>> -> memref<16xf32, #tpu.memory_space<hbm>>
      %dma_start3A_57 = tpu.memref_slice %arg5[%mul3A_55] : memref<512xf32, #tpu.memory_space<hbm>> -> memref<16xf32, #tpu.memory_space<hbm>>
      tpu.enqueue_dma source(%arg9 : memref<16xf32, #tpu.memory_space<vmem>>) target(%dma_start3A_57 : memref<16xf32, #tpu.memory_space<hbm>>) target_semaphore(%run_scoped3A : memref<!tpu.dma_semaphore, #tpu.memory_space<semaphore_mem>>)
      %dma_wait3A_58 = tpu.memref_slice %arg5[%mul3A_55] : memref<512xf32, #tpu.memory_space<hbm>> -> memref<16xf32, #tpu.memory_space<hbm>>
      %dma_wait3A_59 = tpu.memref_slice %arg5[%mul3A_55] : memref<512xf32, #tpu.memory_space<hbm>> -> memref<16xf32, #tpu.memory_space<hbm>>
      tpu.wait_dma2 semaphore(%run_scoped3A : memref<!tpu.dma_semaphore, #tpu.memory_space<semaphore_mem>>) src(%arg9 : memref<16xf32, #tpu.memory_space<vmem>>) dst(%dma_wait3A_59 : memref<16xf32, #tpu.memory_space<hbm>>)
      tpu.yield
    }) : () -> ()
    return
  }
}

module attributes {stable_mosaic.version = 14 : i64} {
  func.func @_tc_norm_body(%arg0: i32, %arg1: memref<1x1x4096xi32, #tpu.memory_space<vmem>>, %arg2: memref<4096x128xf32, #tpu.memory_space<vmem>>, %arg3: memref<100x128xf32, #tpu.memory_space<vmem>>, %arg4: memref<1x1xf32, #tpu.memory_space<smem>>) attributes {dimension_semantics = [#tpu.dimension_semantics<arbitrary>], iteration_bounds = array<i64: 3>, scalar_prefetch = 0 : i64, scratch_operands = 0 : i64, tpu.core_type = #tpu.core_type<tc>, window_params = [{transform_indices = @transform_0, window_bounds = array<i64: 1, 1, 4096>}, {transform_indices = @transform_1, window_bounds = array<i64: 4096, 128>}, {pipeline_mode = #tpu.pipeline_mode<synchronous>, transform_indices = @transform_2, window_bounds = array<i64: 100, 128>}, {transform_indices = @transform_3, window_bounds = array<i64: 1, 1>}]} {
    %get3A = arith.constant 0 : index
    %get3A_0 = arith.constant 0 : index
    %get3A_1 = arith.constant 0 : index
    %get3A_2 = vector.load %arg1[%get3A, %get3A_0, %get3A_1] : memref<1x1x4096xi32, #tpu.memory_space<vmem>>, vector<1x1x4096xi32>
    %get3A_3 = vector.shape_cast %get3A_2 : vector<1x1x4096xi32> to vector<4096xi32>
    %broadcast_in_dim3A = vector.shape_cast %get3A_3 : vector<4096xi32> to vector<4096x1xi32>
    %iota3A = tpu.iota {dimensions = array<i32: 1>} : vector<4096x100xi32>
    %eq3A = vector.broadcast %broadcast_in_dim3A : vector<4096x1xi32> to vector<4096x100xi32>
    %eq3A_4 = arith.cmpi eq, %eq3A, %iota3A : vector<4096x100xi32>
    %convert_element_type3A = arith.extui %eq3A_4 : vector<4096x100xi1> to vector<4096x100xi32>
    %convert_element_type3A_5 = arith.sitofp %convert_element_type3A : vector<4096x100xi32> to vector<4096x100xf32>
    %get3A_6 = arith.constant 0 : index
    %get3A_7 = arith.constant 0 : index
    %get3A_8 = vector.load %arg3[%get3A_6, %get3A_7] : memref<100x128xf32, #tpu.memory_space<vmem>>, vector<100x128xf32>
    %dot_general3A = arith.constant dense<0.000000e+00> : vector<4096x128xf32>
    %dot_general3A_9 = tpu.matmul %convert_element_type3A_5, %get3A_8, %dot_general3A {dimension_numbers = #tpu.dot_dimension_numbers<[1], [0], [0], [1], [0, 0, 1, 1], [], []>, transpose_lhs_hint = false} : vector<4096x100xf32>, vector<100x128xf32>, vector<4096x128xf32> -> vector<4096x128xf32>
    %get3A_10 = arith.constant 0 : index
    %get3A_11 = arith.constant 0 : index
    %get3A_12 = vector.load %arg2[%get3A_10, %get3A_11] : memref<4096x128xf32, #tpu.memory_space<vmem>>, vector<4096x128xf32>
    %sub3A = arith.subf %get3A_12, %dot_general3A_9 : vector<4096x128xf32>
    %mul3A = arith.mulf %sub3A, %sub3A : vector<4096x128xf32>
    %broadcast_in_dim3A_13 = arith.constant 1.000000e+00 : f32
    %broadcast_in_dim3A_14 = vector.broadcast %broadcast_in_dim3A_13 : f32 to vector<128x1xf32>
    %dot_general3A_15 = arith.constant dense<0.000000e+00> : vector<4096x1xf32>
    %dot_general3A_16 = tpu.matmul %mul3A, %broadcast_in_dim3A_14, %dot_general3A_15 {dimension_numbers = #tpu.dot_dimension_numbers<[1], [0], [0], [1], [0, 0, 1, 1], [], []>, transpose_lhs_hint = false} : vector<4096x128xf32>, vector<128x1xf32>, vector<4096x1xf32> -> vector<4096x1xf32>
    %sqrt3A = math.sqrt %dot_general3A_16 : vector<4096x1xf32>
    %eq3A_17 = arith.constant 0 : i32
    %eq3A_18 = arith.cmpi eq, %arg0, %eq3A_17 : i32
    %convert_element_type3A_19 = arith.extui %eq3A_18 : i1 to i32
    %cond3A = arith.constant 0 : i32
    %cond3A_20 = arith.cmpi ne, %convert_element_type3A_19, %cond3A : i32
    scf.if %cond3A_20 {
      %swap3A_30 = arith.constant 0.000000e+00 : f32
      %swap3A_31 = arith.constant 0 : index
      %swap3A_32 = arith.constant 0 : index
      %swap3A_33 = memref.load %arg4[%swap3A_31, %swap3A_32] : memref<1x1xf32, #tpu.memory_space<smem>>
      memref.store %swap3A_30, %arg4[%swap3A_31, %swap3A_32] : memref<1x1xf32, #tpu.memory_space<smem>>
    } else {
    }
    %get3A_21 = arith.constant 0 : index
    %get3A_22 = arith.constant 0 : index
    %get3A_23 = memref.load %arg4[%get3A_21, %get3A_22] : memref<1x1xf32, #tpu.memory_space<smem>>
    %reduce_sum3A = vector.shape_cast %sqrt3A : vector<4096x1xf32> to vector<1x4096x1xf32>
    %reduce_sum3A_24 = arith.constant dense<0.000000e+00> : vector<1xf32>
    %reduce_sum3A_25 = vector.multi_reduction <add>, %reduce_sum3A, %reduce_sum3A_24 [1, 2] : vector<1x4096x1xf32> to vector<1xf32>
    %reduce_sum3A_26 = vector.shape_cast %reduce_sum3A_25 : vector<1xf32> to vector<1x1x1xf32>
    %reduce_sum3A_27 = vector.extract %reduce_sum3A_26[0, 0, 0] : f32 from vector<1x1x1xf32>
    %add3A = arith.addf %get3A_23, %reduce_sum3A_27 : f32
    %swap3A = arith.constant 0 : index
    %swap3A_28 = arith.constant 0 : index
    %swap3A_29 = memref.load %arg4[%swap3A, %swap3A_28] : memref<1x1xf32, #tpu.memory_space<smem>>
    memref.store %add3A, %arg4[%swap3A, %swap3A_28] : memref<1x1xf32, #tpu.memory_space<smem>>
    return
  }
  func.func @transform_0(%arg0: i32) -> (i32, i32, i32) {
    %c0_i32 = arith.constant 0 : i32
    %c0_i32_0 = arith.constant 0 : i32
    %c0_i32_1 = arith.constant 0 : i32
    return %arg0, %c0_i32, %c0_i32_0 : i32, i32, i32
  }
  func.func @transform_1(%arg0: i32) -> (i32, i32) {
    %c0_i32 = arith.constant 0 : i32
    %c0_i32_0 = arith.constant 0 : i32
    return %arg0, %c0_i32 : i32, i32
  }
  func.func @transform_2(%arg0: i32) -> (i32, i32) {
    %c0_i32 = arith.constant 0 : i32
    %c0_i32_0 = arith.constant 0 : i32
    %c0_i32_1 = arith.constant 0 : i32
    return %c0_i32, %c0_i32_0 : i32, i32
  }
  func.func @transform_3(%arg0: i32) -> (i32, i32) {
    %c0_i32 = arith.constant 0 : i32
    %c0_i32_0 = arith.constant 0 : i32
    %c0_i32_1 = arith.constant 0 : i32
    return %c0_i32, %c0_i32_0 : i32, i32
  }
}

module attributes {stable_mosaic.version = 14 : i64} {
  func.func @_tc_finish_body(%arg0: memref<4x128xf32, #tpu.memory_space<vmem>>, %arg1: memref<1x1xf32, #tpu.memory_space<smem>>, %arg2: memref<1x1xf32, #tpu.memory_space<smem>>) attributes {dimension_semantics = [], scalar_prefetch = 0 : i64, scratch_operands = 0 : i64, tpu.core_type = #tpu.core_type<tc>} {
    %get3A = arith.constant 0 : index
    %get3A_0 = arith.constant 0 : index
    %get3A_1 = vector.load %arg0[%get3A, %get3A_0] : memref<4x128xf32, #tpu.memory_space<vmem>>, vector<4x128xf32>
    %reduce_sum3A = vector.shape_cast %get3A_1 : vector<4x128xf32> to vector<1x4x128xf32>
    %reduce_sum3A_2 = arith.constant dense<0.000000e+00> : vector<1xf32>
    %reduce_sum3A_3 = vector.multi_reduction <add>, %reduce_sum3A, %reduce_sum3A_2 [1, 2] : vector<1x4x128xf32> to vector<1xf32>
    %reduce_sum3A_4 = vector.shape_cast %reduce_sum3A_3 : vector<1xf32> to vector<1x1x1xf32>
    %reduce_sum3A_5 = vector.extract %reduce_sum3A_4[0, 0, 0] : f32 from vector<1x1x1xf32>
    %get3A_6 = arith.constant 0 : index
    %get3A_7 = arith.constant 0 : index
    %get3A_8 = memref.load %arg1[%get3A_6, %get3A_7] : memref<1x1xf32, #tpu.memory_space<smem>>
    %add3A = arith.addf %reduce_sum3A_5, %get3A_8 : f32
    %mul3A = arith.constant 6.10351563E-5 : f32
    %mul3A_9 = arith.mulf %add3A, %mul3A : f32
    %swap3A = arith.constant 0 : index
    %swap3A_10 = arith.constant 0 : index
    %swap3A_11 = memref.load %arg2[%swap3A, %swap3A_10] : memref<1x1xf32, #tpu.memory_space<smem>>
    memref.store %mul3A_9, %arg2[%swap3A, %swap3A_10] : memref<1x1xf32, #tpu.memory_space<smem>>
    return
  }
}

</mosaic_0001>

<sc_bundles>
// kernel: kernel.5.cloned.1.call-start
scs
__scs_entry_jumppad:
0x0: {  	(pc) =	sbr.rel $0x88, $3  }
0x1: {  	(tag) =	ssettag $0x0;
	lr =	simm.s32 $0x1  }
0x2: {  	[smem:$0x3F9E] =	sst lr;
	_ =	strace $0xD0000000  }
0x3: {  	_ = 	snop  }
0x4: {  	_ = 	snop  }
0x5: {  	_ = 	snop  }
0x6: {  	_ = 	snop  }
0x7: {  	_ = 	snop  }
__scs_overlays_trampoline_lowered:
0x8: {  	[smem:$0x3FAD] =	sst s0  }
0x9: {  	[smem:$0x3FAE] =	sst s1  }
0xa: {  	[smem:$0x3FAF] =	sst s2  }
0xb: {  	[smem:$0x3FB0] =	sst s3  }
0xc: {  	[smem:$0x3FB1] =	sst s4  }
0xd: {  	[smem:$0x3FB2] =	sst s5  }
0xe: {  	[smem:$0x3FB3] =	sst s6  }
0xf: {  	[smem:$0x3FB4] =	sst s7  }
0x10: {  	[smem:$0x3FB5] =	sst s8  }
0x11: {  	[smem:$0x3FB6] =	sst s9;
	s0 =	simm.s32 @!p0 $0x0  }
0x12: {  	s1 =	sld [smem:$0x3F9C];
	s0 =	simm.s32 @p0 $0x1  }
0x13: {  	[smem:$0x3FB7] =	sst s0;
	s0 =	simm.s32 @!p1 $0x0  }
0x14: {  	s2 =	sld [smem:$0x3F9B];
	s0 =	simm.s32 @p1 $0x1  }
0x15: {  	[smem:$0x3FB8] =	sst s0;
	s0 =	simm.s32 @!p2 $0x0  }
0x16: {  	s3 =	sld [smem:$0x3FDB];
	s0 =	simm.s32 @p2 $0x1  }
0x17: {  	s4 =	simm.s32 $0x1BF5;
	[smem:$0x3FBA] =	sst s0  }
0x18: {  	s0 =	sld [smem:$0x3F9D];
	_ =	swait.ge [sflag:s4], $0x0  }
0x19: {  	s7 =	sld [smem:$0x3F9E]  }
0x1a: {  	s8 =	sadd.s32 $0xFFFFE003, lr  }
0x1b: {  	s9 =	sadd.s32 $0xFFFFFEF7, lr;
	s5 =	simm.s32 $0xFFFFFFFF;
	p2 =	slt.u32 s8, $0xFFFFF086  }
0x1c: {  	p1 =	slt.u32 s9, $0xF7A;
	s5 =	simm.s32 @!p2 $0x0  }
0x1d: {  	s5 =	simm.s32 @p1 $0x1;
	p0 =	seq.s32 s7, s2  }
0x1e: {  	s7 =	smul.u32 @!p0 $0xF7A, s2;
	p2 =	seq.s32 @!p0 s5, $0x0  }
0x1f: {  	s9 =	smul.u32 $0xF7A, s1;
	s8 =	simm.s32 @!p0 $0x1BF5;
	p2 =	por !p2, p0  }
0x20: {  	[sflag:s8] =	ssyncset.s32 @!p0 $0xFFFFF086;
	s6 =	sadd.s32 @!p0 s3, s7;
	s7 =	simm.s32 @!p0 $0x108  }
0x21: {  	s3 =	sadd.s32 s3, s9;
	s6 =	sadd.s32 @!p0 $0x88, s6;
	s7 =	simm.s32 @p2 $0x1082  }
0x22: {  	[simem:s7], [sflag:s8] =	dma.local @!p0 [hbm:s6], $0xF7A  }
0x23: {  	s9 =	sor.u32 $0xD0000000, s2;
	s6 =	simm.s32 $0x108;
	_ =	swait.ge @!p0 [sflag:s8], $0x0  }
0x24: {  	s3 =	sadd.s32 $0x88, s3;
	s6 =	simm.s32 @!p1 $0x1082;
	[sflag:s4] =	ssyncset.s32 $0xFFFFF086  }
0x25: {  	[simem:s6], [sflag:s4] =	dma.local [hbm:s3], $0xF7A  }
0x26: {  	[smem:$0x3F9E] =	sst s1;
	(tag) =	ssettag s2;
	_ =	strace s9  }
0x27: {  	s1 =	sld [smem:$0x3FAE]  }
0x28: {  	s2 =	sld [smem:$0x3FAF]  }
0x29: {  	s4 =	sld [smem:$0x3FB1]  }
0x2a: {  	p0 =	seq.s32 s5, $0x0;
	s5 =	sld [smem:$0x3FB2]  }
0x2b: {  	s6 =	sld [smem:$0x3FB3]  }
0x2c: {  	s7 =	sld [smem:$0x3FB4]  }
0x2d: {  	s3 =	simm.s32 $0x108;
	s8 =	sld [smem:$0x3FB5]  }
0x2e: {  	s3 =	simm.s32 @!p0 $0x1082;
	s9 =	sld [smem:$0x3FB6]  }
0x2f: {  	lr =	sadd.s32 s0, s3;
	s0 =	sld [smem:$0x3FAD]  }
0x30: {  	s3 =	sld [smem:$0x3FB0]  }
0x31: {  	[smem:$0x3FB9] =	sst s10  }
0x32: {  	s10 =	sld [smem:$0x3FB7];
	_ =	sdelay $0x3  }
0x33: {  	p0 =	seq.s32 s10, $0x1;
	s10 =	sld [smem:$0x3FB9];
	_ =	sdelay $0x3  }
0x34: {  	[smem:$0x3FB9] =	sst s10  }
0x35: {  	s10 =	sld [smem:$0x3FB8];
	_ =	sdelay $0x3  }
0x36: {  	p1 =	seq.s32 s10, $0x1;
	s10 =	sld [smem:$0x3FB9];
	_ =	sdelay $0x3  }
0x37: {  	[smem:$0x3FB9] =	sst s10  }
0x38: {  	s10 =	sld [smem:$0x3FBA]  }
0x39: {  	_ = 	snop;
	(pc) =	sbr.ind lr, $3  }
0x3a: {  	_ = 	snop  }
0x3b: {  	_ = 	snop  }
0x3c: {  	p2 =	seq.s32 s10, $0x1;
	s10 =	sld [smem:$0x3FB9]  }
0x3d: {  	_ =	shalt  }
0x3e: {  	_ =	shalt  }
0x3f: {  	_ =	shalt  }
0x40: {  	_ =	shalt  }
0x41: {  	_ =	shalt  }
0x42: {  	_ =	shalt  }
0x43: {  	_ =	shalt  }
0x44: {  	_ =	shalt  }
0x45: {  	_ =	shalt  }
0x46: {  	_ =	shalt  }
0x47: {  	_ =	shalt  }
0x48: {  	_ =	shalt  }
0x49: {  	_ =	shalt  }
0x4a: {  	_ =	shalt  }
0x4b: {  	_ =	shalt  }
0x4c: {  	_ =	shalt  }
0x4d: {  	_ =	shalt  }
0x4e: {  	_ =	shalt  }
0x4f: {  	_ =	shalt  }
0x50: {  	_ =	shalt  }
0x51: {  	_ =	shalt  }
0x52: {  	_ =	shalt  }
0x53: {  	_ =	shalt  }
0x54: {  	_ =	shalt  }
0x55: {  	_ =	shalt  }
0x56: {  	_ =	shalt  }
0x57: {  	_ =	shalt  }
0x58: {  	_ =	shalt  }
0x59: {  	_ =	shalt  }
0x5a: {  	_ =	shalt  }
0x5b: {  	_ =	shalt  }
0x5c: {  	_ =	shalt  }
0x5d: {  	_ =	shalt  }
0x5e: {  	_ =	shalt  }
0x5f: {  	_ =	shalt  }
0x60: {  	_ =	shalt  }
0x61: {  	_ =	shalt  }
0x62: {  	_ =	shalt  }
0x63: {  	_ =	shalt  }
0x64: {  	_ =	shalt  }
0x65: {  	_ =	shalt  }
0x66: {  	_ =	shalt  }
0x67: {  	_ =	shalt  }
0x68: {  	_ =	shalt  }
0x69: {  	_ =	shalt  }
0x6a: {  	_ =	shalt  }
0x6b: {  	_ =	shalt  }
0x6c: {  	_ =	shalt  }
0x6d: {  	_ =	shalt  }
0x6e: {  	_ =	shalt  }
0x6f: {  	_ =	shalt  }
0x70: {  	_ =	shalt  }
0x71: {  	_ =	shalt  }
0x72: {  	_ =	shalt  }
0x73: {  	_ =	shalt  }
0x74: {  	_ =	shalt  }
0x75: {  	_ =	shalt  }
0x76: {  	_ =	shalt  }
0x77: {  	_ =	shalt  }
0x78: {  	_ =	shalt  }
0x79: {  	_ =	shalt  }
0x7a: {  	_ =	shalt  }
0x7b: {  	_ =	shalt  }
0x7c: {  	_ =	shalt  }
0x7d: {  	_ =	shalt  }
0x7e: {  	_ =	shalt  }
0x7f: {  	_ =	shalt  }
0x80: {  	_ =	shalt  }
0x81: {  	_ =	shalt  }
0x82: {  	_ =	shalt  }
0x83: {  	_ =	shalt  }
0x84: {  	_ =	shalt  }
0x85: {  	_ =	shalt  }
0x86: {  	_ =	shalt  }
0x87: {  	_ =	shalt  }
.Lfunc_end0:
.L_simem_size_0:
called_computation_lowered:
.L_overlay_start_0:
0x88: {  	s2 =	sld [smem:$0x3FD9]  }
0x89: {  	s3 =	sld [smem:$0x3FFE];
	_ =	sdelay $0x1  }
0x8a: {  	s1 =	srdreg.scid  }
0x8b: {  	s0 =	sand.u32 $0x1, s1  }
0x8c: {  	s17 =	sshll.u32 s0, $0xA;
	s2 =	sadd.s32 s3, s2  }
0x8d: {  	s2 =	sadd.s32 s2, s17  }
0x8e: {  	[smem:$0x3FC5] =	sst s2  }
0x8f: {  	_ = 	snop  }
0x90: {  	s2 =	sld [smem:$0x3FC9]  }
0x91: {  	s18 =	sld [smem:$0x3FC8]  }
0x92: {  	s4 =	sld [smem:$0x3FC7];
	(tm) =	ssettm $0x1  }
0x93: {  	s5 =	sld [smem:$0x3FFB];
	_ =	sdelay $0x3  }
0x94: {  	_ =	strace s5  }
0x95: {  	s5 =	sld [smem:$0x3FFC];
	_ =	sdelay $0x3  }
0x96: {  	_ =	strace s5  }
0x97: {  	s5 =	sld [smem:$0x3FFD];
	_ =	sdelay $0x3  }
0x98: {  	_ =	strace s5  }
0x99: {  	_ =	strace $0x8FFFFFFF  }
0x9a: {  	s19 =	sld [smem:$0x3FDB];
	_ =	sdelay $0x1  }
0x9b: {  	s6 =	simm.s32 $_scs_section_size  }
0x9c: {  	s7 =	simm.s32 $_size__tile_overlayer_lowered;
	s8 =	simm.s32 $_tile_overlayer_lowered  }
0x9d: {  	s22 =	simm.s32 $0x1BFF;
	s21 =	sshll.u32 s8, $0x1;
	s5 =	sadd.s32 s6, s19  }
0x9e: {  	s9 =	simm.s32 $0x0;
	s20 =	sshll.u32 s7, $0x1;
	s7 =	sadd.s32 s21, s5  }
0x9f: {  	[timem:s9], [sflag:s22] =	dma.local [hbm:s7], s20  }
0xa0: {  	_ =	swait.ge [sflag:s22], s20  }
0xa1: {  	s6 =	ssub.s32 $0x0, s20;
	[sflag:s22] =	ssyncset.done $0x0  }
0xa2: {  	[sflag:s22] =	ssyncadd.s32 s6;
	_ =	sdelay $0x1  }
0xa3: {  	s23 =	simm.s32 $0x1B8B  }
0xa4: {  	_ =	swait.ge [sflag:s23], $0x1  }
0xa5: {  	[sflag:s23] =	ssyncset.done $0x0  }
0xa6: {  	s25 =	simm.s32 $0x1B8E;
	s24 =	sld [smem:$0x3FFE];
	[sflag:s23] =	ssyncadd.s32 $0xFFFFFFFF  }
0xa7: {  	s26 =	simm.s32 $execute0_lowered;
	[smem:$0x3FD2] =	sst s25  }
0xa8: {  	s7 =	sshll.u32 s26, $0x1;
	_ =	strace $0x80000046;
	[dreg:$0x1] =	wrdreg $0xFFFFFFFF  }
0xa9: {  	s28 =	simm.s32 $_size_execute0_lowered;
	s5 =	sadd.s32 s5, s7;
	[dreg:$0x0] =	wrdreg $0x0  }
0xaa: {  	s7 =	sshll.u32 s28, $0x1;
	[dreg:$0x2] =	wrdreg s5  }
0xab: {  	[dreg:$0x3] =	wrdreg s7  }
0xac: {  	[dreg:$0x4] =	wrdreg $0xC0  }
0xad: {  	_ =	task [dreg:s9], $0x5FFFF  }
0xae: {  	[dreg:$0x1] =	wrdreg $0xFFFFFFFF  }
0xaf: {  	[dreg:$0x0] =	wrdreg $0x60  }
0xb0: {  	[dreg:$0x2] =	wrdreg s2  }
0xb1: {  	[dreg:$0x3] =	wrdreg s18  }
0xb2: {  	[dreg:$0x4] =	wrdreg s4  }
0xb3: {  	[dreg:$0x5] =	wrdreg s24  }
0xb4: {  	[dreg:$0x6] =	wrdreg $0x73000  }
0xb5: {  	[dreg:$0x7] =	wrdreg $0x9  }
0xb6: {  	_ =	task.clear_ibuf [dreg:s9], $0x8FFFF;
	_ =	strace $0x90000046  }
0xb7: {  	s29 =	simm.s32 $0x9;
	_ =	strace $0x80000048  }
0xb8: {  	_ =	swait.ge [sflag:s29], $0x1  }
0xb9: {  	[sflag:s29] =	ssyncadd.s32 $0xFFFFFFFF  }
0xba: {  	_ =	strace $0x90000048  }
0xbb: {  	_ =	sfence  }
0xbc: {  	s30 =	sld [smem:$0x0];
	_ =	sdelay $0x2  }
0xbd: {  	s31 =	sshll.u32 s1, $0xD;
	s1 =	sshrl.u32 s1, $0x2  }
0xbe: {  	s3 =	sand.u32 $0x4000, s31;
	s1 =	sadd.s32 s1, s30  }
0xbf: {  	s0 =	sor.u32 s3, s0;
	s1 =	sshll.u32 s1, $0x11  }
0xc0: {  	s0 =	sor.u32 s1, s0  }
0xc1: {  	s0 =	sadd.s32 $0x8F2B, s0  }
0xc2: {  	[sflag:s0] =	ssyncadd.remote.s32 $0x1  }
0xc3: {  	_ =	sfence.sel $0xFFFF  }
0xc4: {  	[dreg:$0x0] =	wrdreg $0xFFFFFFFF;
	(pc) =	sbr.abs _section_cstart, $3  }
0xc5: {  	[dreg:$0x1] =	wrdreg $0xFFFFFFFF  }
0xc6: {  	_ =	task.clear_ibuf [dreg:s9], $0x2FFFF;
	_ =	strace $0x9FFFFFFF  }
0xc7: {  	(tm) =	ssettm $0x7FFFFFFF  }
tec
execute0_lowered:
.L_overlay_start_1:
0x0: {  	(tag) =	ssettag $0x1  }
0x1: {  	v0 =	vimm.s32 $0x780  }
0x2: {  	vm6 =	vcmask $0x300;
	vm7 =	vcmask $0x704;
	vm5 =	vcmask $0xB08  }
0x3: {  	vm3 =	vcmask $0xF0C;
	vm2 =	vcmask $0x1310;
	vm1 =	vcmask $0x1714  }
0x4: {  	v1 =	vimm.s32 $0x74737271;
	vm0 =	vcmask $0x1B18;
	v2 =	vimm.s32 $0x78777675  }
0x5: {  	v3 =	vimm.s32 $0x7C7B7A79;
	v4 =	vimm.s32 $0x7F7E7D;
	vm4 =	vcmask $0x1F10  }
0x6: {  	v57 =	vimm.s32 $0x75747372;
	v58 =	vimm.s32 $0x79787776;
	v5 =	vimm.s32 $0x7D7C7B7A  }
0x7: {  	v6 =	vimm.s32 $0x1007F7E;
	v7 =	vimm.s32 $0x76757473;
	v60 =	vimm.s32 $0x7A797877  }
0x8: {  	v8 =	vimm.s32 $0x7E7D7C7B;
	v9 =	vimm.s32 $0x201007F;
	v62 =	vimm.s32 $0x3020100  }
0x9: {  	v63 =	vimm.s32 $0x7F7E7D7C;
	v34 =	vimm.s32 $0x77767574;
	v35 =	vimm.s32 $0x7B7A7978  }
0xa: {  	v10 =	vimm.s32 $0x4030201;
	v11 =	vimm.s32 $0x5040302;
	v16 =	vimm.s32 $0x6050403  }
0xb: {  	vm14 =	vcmask $0x1F1C;
	v38 =	vimm.s32 $0x781;
	v39 =	vimm.s32 $0x782  }
0xc: {  	v40 =	vimm.s32 $0x783;
	v41 =	vimm.s32 $0x784;
	v42 =	vimm.s32 $0x785  }
0xd: {  	v43 =	vimm.s32 $0x786;
	v44 =	vimm.s32 $0x787;
	v45 =	vimm.s32 $0x788  }
0xe: {  	v46 =	vimm.s32 $0x789;
	v47 =	vimm.s32 $0x78A;
	v48 =	vimm.s32 $0x78B  }
0xf: {  	v17 =	vimm.s32 $0x78D;
	v18 =	vimm.s32 $0x78E;
	vm15 =	vcmask $0x2320  }
0x10: {  	vm8 =	vcmask $0x2724;
	vm9 =	vcmask $0x2B28;
	vm10 =	vcmask $0x2F2C  }
0x11: {  	vm11 =	vcmask $0x3330;
	vm12 =	vcmask $0x3734;
	vm13 =	vcmask $0x3B38  }
0x12: {  	v0 =	vsel vm6, $0x71, v0;
	v1 =	vunpack.c.0.s8.s32 v1;
	v2 =	vunpack.c.0.s8.s32 v2  }
0x13: {  	v3 =	vunpack.c.0.s8.s32 v3;
	v12 =	vunpack.c.0.s8.s32 v4;
	v4 =	vunpack.c.0.s8.s32 v58  }
0x14: {  	v5 =	vunpack.c.0.s8.s32 v5;
	v13 =	vunpack.c.0.s8.s32 v6;
	v59 =	vunpack.c.0.s8.s32 v7  }
0x15: {  	v7 =	vunpack.c.0.s8.s32 v60;
	v61 =	vunpack.c.0.s8.s32 v8;
	v14 =	vunpack.c.0.s8.s32 v9  }
0x16: {  	v6 =	vunpack.c.0.s8.s32 v62;
	v15 =	vunpack.c.0.s8.s32 v63;
	v8 =	vunpack.c.0.s8.s32 v34  }
0x17: {  	v9 =	vunpack.c.0.s8.s32 v35;
	v10 =	vunpack.c.0.s8.s32 v10;
	v36 =	vunpack.c.0.s8.s32 v11  }
0x18: {  	v37 =	vunpack.c.0.s8.s32 v16;
	v11 =	vsel vm6, $0x7C, v48;
	v16 =	vimm.s32 $0x78C  }
0x19: {  	v17 =	vsel vm6, $0x7E, v17;
	v18 =	vsel vm6, $0x7F, v18;
	v34 =	vimm.s32 $0x32107654  }
0x1a: {  	v35 =	vimm.s32 $0x43218765;
	v60 =	vimm.s32 $0xB0A0908;
	v62 =	vlaneseq.u32  }
0x1b: {  	v0 =	vsel vm7, $0xF2, v0;
	v16 =	vsel vm6, $0x7D, v16;
	v11 =	vsel vm7, $0xFD, v11  }
0x1c: {  	v17 =	vsel vm7, $0xFF, v17;
	v18 =	vsel vm7, $0x80, v18;
	v34 =	vunpack.c.l.s4.s8 v34  }
0x1d: {  	v35 =	vunpack.c.l.s4.s8 v35;
	v0 =	vsel vm5, $0x173, v0;
	v26 =	vsel vm4, v2, v1  }
0x1e: {  	v27 =	vsel vm4, v12, v3;
	v1 =	vunpack.c.0.s8.s32 v57;
	v30 =	vsel vm4, v13, v5  }
0x1f: {  	v32 =	vsel vm4, v7, v59;
	v33 =	vsel vm4, v14, v61;
	v19 =	vsel vm4, v6, v15  }
0x20: {  	v20 =	vsel vm4, v9, v8;
	v28 =	vsel vm4, v10, v12;
	v31 =	vsel vm4, v3, v2  }
0x21: {  	v21 =	vsel vm4, v36, v13;
	v25 =	vsel vm4, v5, v4;
	v22 =	vsel vm4, v37, v14  }
0x22: {  	v23 =	vsel vm4, v61, v7;
	v24 =	vsel vm4, v15, v9;
	v2 =	vsel vm6, $0x73, v39  }
0x23: {  	v3 =	vsel vm6, $0x74, v40;
	v5 =	vsel vm6, $0x76, v42;
	v6 =	vsel vm6, $0x77, v43  }
0x24: {  	v7 =	vsel vm6, $0x78, v44;
	v8 =	vsel vm6, $0x79, v45;
	v9 =	vsel vm6, $0x7A, v46  }
0x25: {  	v10 =	vsel vm6, $0x7B, v47;
	v16 =	vsel vm7, $0xFE, v16;
	v11 =	vsel vm5, $0x17E, v11  }
0x26: {  	v17 =	vsel vm5, $0x100, v17;
	v18 =	vsel vm5, $0x101, v18;
	v36 =	vimm.s32 $0x54329876  }
0x27: {  	v37 =	vimm.s32 $0x6543A987;
	v0 =	vsel vm3, $0x1F4, v0;
	v2 =	vsel vm7, $0xF4, v2  }
0x28: {  	v3 =	vsel vm7, $0xF5, v3;
	v5 =	vsel vm7, $0xF7, v5;
	v6 =	vsel vm7, $0xF8, v6  }
0x29: {  	v7 =	vsel vm7, $0xF9, v7;
	v8 =	vsel vm7, $0xFA, v8;
	v9 =	vsel vm7, $0xFB, v9  }
0x2a: {  	v10 =	vsel vm7, $0xFC, v10;
	v16 =	vsel vm5, $0x17F, v16;
	v11 =	vsel vm3, $0x1FF, v11  }
0x2b: {  	v17 =	vsel vm3, $0x181, v17;
	v18 =	vsel vm3, $0x182, v18;
	v34 =	vunpack.c.0.s8.s32 v34  }
0x2c: {  	v36 =	vunpack.c.l.s4.s8 v36;
	v37 =	vunpack.c.l.s4.s8 v37;
	v35 =	vunpack.c.0.s8.s32 v35  }
0x2d: {  	v19 =	vcombine.low v20, v19;
	v20 =	vcombine.low v31, v28;
	v28 =	vimm.s32 $0x76543210  }
0x2e: {  	v21 =	vcombine.low v25, v21;
	v22 =	vcombine.low v23, v22;
	v31 =	vimm.s32 $0xA9876543  }
0x2f: {  	v26 =	vcombine.low v26, v27;
	v32 =	vcombine.low v32, v33;
	v0 =	vsel vm2, $0x275, v0  }
0x30: {  	v29 =	vsel vm4, v4, v1;
	v1 =	vsel vm6, $0x72, v38;
	v4 =	vsel vm6, $0x75, v41  }
0x31: {  	v2 =	vsel vm5, $0x175, v2;
	v3 =	vsel vm5, $0x176, v3;
	v5 =	vsel vm5, $0x178, v5  }
0x32: {  	v6 =	vsel vm5, $0x179, v6;
	v7 =	vsel vm5, $0x17A, v7;
	v8 =	vsel vm5, $0x17B, v8  }
0x33: {  	v9 =	vsel vm5, $0x17C, v9;
	v10 =	vsel vm5, $0x17D, v10;
	v16 =	vsel vm3, $0x180, v16  }
0x34: {  	v11 =	vsel vm2, $0x200, v11;
	v17 =	vsel vm2, $0x202, v17;
	v18 =	vsel vm2, $0x203, v18  }
0x35: {  	v25 =	vunpack.c.l.s4.s8 v28;
	v28 =	vimm.s32 $0x87654321;
	v31 =	vunpack.c.l.s4.s8 v31  }
0x36: {  	v0 =	vsel vm1, $0x2F6, v0;
	v1 =	vsel vm7, $0xF3, v1;
	v4 =	vsel vm7, $0xF6, v4  }
0x37: {  	v2 =	vsel vm3, $0x1F6, v2;
	v3 =	vsel vm3, $0x1F7, v3;
	v5 =	vsel vm3, $0x1F9, v5  }
0x38: {  	v6 =	vsel vm3, $0x1FA, v6;
	v7 =	vsel vm3, $0x1FB, v7;
	v8 =	vsel vm3, $0x1FC, v8  }
0x39: {  	v9 =	vsel vm3, $0x1FD, v9;
	v10 =	vsel vm3, $0x1FE, v10;
	v16 =	vsel vm2, $0x201, v16  }
0x3a: {  	v11 =	vsel vm1, $0x281, v11;
	v17 =	vsel vm1, $0x283, v17;
	v18 =	vsel vm1, $0x284, v18  }
0x3b: {  	v34 =	vand.u32 $0xF, v34;
	v36 =	vunpack.c.0.s8.s32 v36;
	v37 =	vunpack.c.0.s8.s32 v37  }
0x3c: {  	v35 =	vand.u32 $0xF, v35;
	v23 =	vunpack.c.l.s4.s8 v28;
	v28 =	vimm.s32 $0x98765432  }
0x3d: {  	v29 =	vcombine.low v29, v30;
	v0 =	vsel vm0, $0x377, v0;
	v1 =	vsel vm5, $0x174, v1  }
0x3e: {  	v4 =	vsel vm5, $0x177, v4;
	v2 =	vsel vm2, $0x277, v2;
	v3 =	vsel vm2, $0x278, v3  }
0x3f: {  	v5 =	vsel vm2, $0x27A, v5;
	v6 =	vsel vm2, $0x27B, v6;
	v7 =	vsel vm2, $0x27C, v7  }
0x40: {  	v8 =	vsel vm2, $0x27D, v8;
	v9 =	vsel vm2, $0x27E, v9;
	v10 =	vsel vm2, $0x27F, v10  }
0x41: {  	v16 =	vsel vm1, $0x282, v16;
	v11 =	vsel vm0, $0x302, v11;
	v17 =	vsel vm0, $0x304, v17  }
0x42: {  	v18 =	vsel vm0, $0x305, v18;
	v25 =	vunpack.c.0.s8.s32 v25;
	v28 =	vunpack.c.l.s4.s8 v28  }
0x43: {  	v31 =	vunpack.c.0.s8.s32 v31;
	v0 =	vsel vm14, $0x3F8, v0;
	v1 =	vsel vm3, $0x1F5, v1  }
0x44: {  	v4 =	vsel vm3, $0x1F8, v4;
	v2 =	vsel vm1, $0x2F8, v2;
	v3 =	vsel vm1, $0x2F9, v3  }
0x45: {  	v5 =	vsel vm1, $0x2FB, v5;
	v6 =	vsel vm1, $0x2FC, v6;
	v7 =	vsel vm1, $0x2FD, v7  }
0x46: {  	v8 =	vsel vm1, $0x2FE, v8;
	v9 =	vsel vm1, $0x2FF, v9;
	v10 =	vsel vm1, $0x280, v10  }
0x47: {  	v16 =	vsel vm0, $0x303, v16;
	v11 =	vsel vm14, $0x383, v11;
	v17 =	vsel vm14, $0x385, v17  }
0x48: {  	v18 =	vsel vm14, $0x386, v18;
	v36 =	vand.u32 $0xF, v36;
	v23 =	vunpack.c.0.s8.s32 v23  }
0x49: {  	v0 =	vsel vm15, $0x479, v0;
	v1 =	vsel vm2, $0x276, v1;
	v4 =	vsel vm2, $0x279, v4  }
0x4a: {  	v2 =	vsel vm0, $0x379, v2;
	v3 =	vsel vm0, $0x37A, v3;
	v5 =	vsel vm0, $0x37C, v5  }
0x4b: {  	v6 =	vsel vm0, $0x37D, v6;
	v7 =	vsel vm0, $0x37E, v7;
	v8 =	vsel vm0, $0x37F, v8  }
0x4c: {  	v9 =	vsel vm0, $0x300, v9;
	v10 =	vsel vm0, $0x301, v10;
	v16 =	vsel vm14, $0x384, v16  }
0x4d: {  	v11 =	vsel vm15, $0x404, v11;
	v17 =	vsel vm15, $0x406, v17;
	v18 =	vsel vm15, $0x407, v18  }
0x4e: {  	v24 =	vcombine.low v24, v25;
	v25 =	vmul.u32 $0x81, v62;
	v63 =	vunpack.c.0.s8.s32 v28  }
0x4f: {  	v0 =	vsel vm8, $0x4FA, v0;
	v1 =	vsel vm1, $0x2F7, v1;
	v4 =	vsel vm1, $0x2FA, v4  }
0x50: {  	v2 =	vsel vm14, $0x3FA, v2;
	v3 =	vsel vm14, $0x3FB, v3;
	v5 =	vsel vm14, $0x3FD, v5  }
0x51: {  	v6 =	vsel vm14, $0x3FE, v6;
	v7 =	vsel vm14, $0x3FF, v7;
	v8 =	vsel vm14, $0x380, v8  }
0x52: {  	v9 =	vsel vm14, $0x381, v9;
	v10 =	vsel vm14, $0x382, v10;
	v16 =	vsel vm15, $0x405, v16  }
0x53: {  	v11 =	vsel vm8, $0x485, v11;
	v17 =	vsel vm8, $0x487, v17;
	v18 =	vsel vm8, $0x488, v18  }
0x54: {  	v23 =	vand.u32 $0xF, v23;
	v0 =	vsel vm9, $0x57B, v0;
	v1 =	vsel vm0, $0x378, v1  }
0x55: {  	v4 =	vsel vm0, $0x37B, v4;
	v2 =	vsel vm15, $0x47B, v2;
	v3 =	vsel vm15, $0x47C, v3  }
0x56: {  	v5 =	vsel vm15, $0x47E, v5;
	v6 =	vsel vm15, $0x47F, v6;
	v7 =	vsel vm15, $0x400, v7  }
0x57: {  	v8 =	vsel vm15, $0x401, v8;
	v9 =	vsel vm15, $0x402, v9;
	v10 =	vsel vm15, $0x403, v10  }
0x58: {  	v16 =	vsel vm8, $0x486, v16;
	v11 =	vsel vm9, $0x506, v11;
	v17 =	vsel vm9, $0x508, v17  }
0x59: {  	v18 =	vsel vm9, $0x509, v18;
	v27 =	vcombine.low v27, v23;
	v28 =	vadd.s32 $0x70, v25  }
0x5a: {  	v23 =	vand.u32 $0xF, v63;
	v1 =	vsel vm14, $0x3F9, v1;
	v4 =	vsel vm14, $0x3FC, v4  }
0x5b: {  	v0 =	vsel vm10, $0x5FC, v0;
	v2 =	vsel vm8, $0x4FC, v2;
	v3 =	vsel vm8, $0x4FD, v3  }
0x5c: {  	v5 =	vsel vm8, $0x4FF, v5;
	v6 =	vsel vm8, $0x480, v6;
	v7 =	vsel vm8, $0x481, v7  }
0x5d: {  	v8 =	vsel vm8, $0x482, v8;
	v9 =	vsel vm8, $0x483, v9;
	v10 =	vsel vm8, $0x484, v10  }
0x5e: {  	v16 =	vsel vm9, $0x507, v16;
	v11 =	vsel vm10, $0x587, v11;
	v17 =	vsel vm10, $0x589, v17  }
0x5f: {  	v18 =	vsel vm10, $0x58A, v18;
	vm14 =	vcmask $0x2F10;
	v30 =	vcombine.low v30, v23  }
0x60: {  	v23 =	vand.u32 $0xF, v31;
	v31 =	vor.u32 $0x70, v62;
	v1 =	vsel vm15, $0x47A, v1  }
0x61: {  	v4 =	vsel vm15, $0x47D, v4;
	v0 =	vsel vm11, $0x67D, v0;
	v2 =	vsel vm9, $0x57D, v2  }
0x62: {  	v3 =	vsel vm9, $0x57E, v3;
	v5 =	vsel vm9, $0x500, v5;
	v6 =	vsel vm9, $0x501, v6  }
0x63: {  	v7 =	vsel vm9, $0x502, v7;
	v8 =	vsel vm9, $0x503, v8;
	v9 =	vsel vm9, $0x504, v9  }
0x64: {  	v10 =	vsel vm9, $0x505, v10;
	v16 =	vsel vm10, $0x588, v16;
	v11 =	vsel vm11, $0x608, v11  }
0x65: {  	v17 =	vsel vm11, $0x60A, v17;
	v18 =	vsel vm11, $0x60B, v18;
	v15 =	vsel vm14, v34, v15  }
0x66: {  	v34 =	vunpack.c.0.s8.s32 v60;
	v35 =	vsel vm14, v35, v12;
	v36 =	vsel vm14, v36, v13  }
0x67: {  	v12 =	vand.u32 $0xF, v37;
	vm15 =	vcmask $0x3F30;
	v13 =	vimm.s32 $0xC0B0A09  }
0x68: {  	v33 =	vcombine.low v33, v23;
	v1 =	vsel vm8, $0x4FB, v1;
	v4 =	vsel vm8, $0x4FE, v4  }
0x69: {  	v2 =	vsel vm10, $0x5FE, v2;
	v3 =	vsel vm10, $0x5FF, v3;
	v5 =	vsel vm10, $0x581, v5  }
0x6a: {  	v6 =	vsel vm10, $0x582, v6;
	v7 =	vsel vm10, $0x583, v7;
	v8 =	vsel vm10, $0x584, v8  }
0x6b: {  	v9 =	vsel vm10, $0x585, v9;
	v10 =	vsel vm10, $0x586, v10;
	v0 =	vsel vm12, $0x6FE, v0  }
0x6c: {  	v16 =	vsel vm11, $0x609, v16;
	v11 =	vsel vm12, $0x689, v11;
	v17 =	vsel vm12, $0x68B, v17  }
0x6d: {  	v18 =	vsel vm12, $0x68C, v18;
	v37 =	vsel vm14, v12, v14;
	v14 =	vimm.s32 $0xD0C0B0A  }
0x6e: {  	s4 =	rddreg [dreg:$0x0];
	v38 =	vunpack.c.0.s8.s32 v13;
	v1 =	vsel vm9, $0x57C, v1;
	v4 =	vsel vm9, $0x57F, v4  }
0x6f: {  	s6 =	rddreg [dreg:$0x1];
	v2 =	vsel vm11, $0x67F, v2;
	v3 =	vsel vm11, $0x600, v3;
	v0 =	vsel vm13, $0x77F, v0  }
0x70: {  	s0 =	rddreg [dreg:$0x2];
	v5 =	vsel vm11, $0x602, v5;
	v59 =	vsel vm13, $0x70A, v11;
	v16 =	vsel vm12, $0x68A, v16;
	[tilespmem:$0x1FF30] =	vst v0  }
0x71: {  	s5 =	rddreg [dreg:$0x3];
	v6 =	vsel vm11, $0x603, v6;
	v2 =	vsel vm12, $0x680, v2;
	[tilespmem:$0x1FFE0] =	vst v59;
	v61 =	vsel vm13, $0x70B, v16  }
0x72: {  	s1 =	rddreg [dreg:$0x4];
	s3 =	srdreg.scid;
	v7 =	vsel vm11, $0x604, v7;
	v3 =	vsel vm12, $0x681, v3;
	v50 =	vsel vm13, $0x701, v2;
	[tilespmem:$0x1FFF0] =	vst v61  }
0x73: {  	s2 =	rddreg [dreg:$0x5];
	s9 =	stileid.u32;
	s13 =	simm.s32 $0x4;
	v8 =	vsel vm11, $0x605, v8;
	v5 =	vsel vm12, $0x683, v5;
	v51 =	vsel vm13, $0x702, v3;
	[tilespmem:$0x1FF50] =	vst v50  }
0x74: {  	s14 =	simm.s32 $0x3;
	s15 =	simm.s32 $0x1;
	s16 =	simm.s32 $0x2;
	v9 =	vsel vm11, $0x606, v9;
	v6 =	vsel vm12, $0x684, v6;
	v53 =	vsel vm13, $0x704, v5;
	[tilespmem:$0x1FF60] =	vst v51  }
0x75: {  	s17 =	simm.s32 $0x7280;
	s18 =	simm.s32 $0x0;
	s7 =	sand.u32 $0x1, s3;
	v10 =	vsel vm11, $0x607, v10;
	v7 =	vsel vm12, $0x685, v7;
	v54 =	vsel vm13, $0x705, v6;
	[tilespmem:$0x1FF80] =	vst v53  }
0x76: {  	s3 =	simm.s32 $0x0;
	p0 =	sne.s32 s9, $0x0;
	s8 =	sshll.u32 s7, $0x4;
	v1 =	vsel vm10, $0x5FD, v1;
	v8 =	vsel vm12, $0x686, v8;
	v55 =	vsel vm13, $0x706, v7;
	[tilespmem:$0x1FF90] =	vst v54  }
0x77: {  	[smem:$0x7FF] =	sst s3;
	s7 =	ssub.s32 $0x2, s7;
	s8 =	sor.u32 s9, s8;
	v4 =	vsel vm10, $0x580, v4;
	v9 =	vsel vm12, $0x687, v9;
	v56 =	vsel vm13, $0x707, v8;
	[tilespmem:$0x1FFA0] =	vst v55  }
0x78: {  	s30 =	sshrl.u32 s7, $0x1;
	s9 =	simm.s32 $0x2000;
	s10 =	sshll.u32 s8, $0x7;
	v10 =	vsel vm12, $0x688, v10;
	v1 =	vsel vm11, $0x67E, v1;
	v57 =	vsel vm13, $0x708, v9;
	[tilespmem:$0x1FFB0] =	vst v56  }
0x79: {  	s8 =	sshll.u32 s8, $0x1;
	s12 =	ssub.s32 s7, s30;
	s10 =	sor.u32 $0x3000, s10;
	v4 =	vsel vm11, $0x601, v4;
	v58 =	vsel vm13, $0x709, v10;
	v1 =	vsel vm12, $0x6FF, v1;
	[tilespmem:$0x1FFC0] =	vst v57  }
0x7a: {  	s8 =	sadd.s32 s8, s5;
	s11 =	sshll.u32 s10, $0x4;
	s31 =	sshrl.u32 s10, $0x3;
	v16 =	vimm.s32 $0xE0D0C0B;
	v4 =	vsel vm12, $0x682, v4;
	[tilespmem:$0x1FFD0] =	vst v58;
	v49 =	vsel vm13, $0x700, v1  }
0x7b: {  	s7 =	sadd.s32 $0xC00, s8;
	s8 =	smax.u32 s12, $0x1;
	s10 =	simm.s32 $0x4000;
	v39 =	vunpack.c.0.s8.s32 v14;
	v40 =	vunpack.c.0.s8.s32 v16;
	v52 =	vsel vm13, $0x703, v4;
	[tilespmem:$0x1FF40] =	vst v49  }
0x7c: {  	s12 =	simm.s32 $0x4080;
	s4 =	sadd.s32 s4, s11;
	s6 =	sadd.s32 s6, s31;
	v13 =	vsel vm13, $0x70C, v17;
	v14 =	vsel vm13, $0x70D, v18;
	v15 =	vsel vm15, v34, v15;
	[tilespmem:$0x1FF70] =	vst v52  }
0x7d: {  	s11 =	sshrl.u32 @!p0 s1, $0x3;
	s5 =	sadd.s32 $0x400, s4;
	v16 =	vsel vm15, v38, v35;
	v17 =	vsel vm15, v39, v36;
	v18 =	vsel vm15, v40, v37;
	_ =	strace $0x80000047  }
.LBB2_1:
0x7e: {  	[tilespmem:s3], [sflag:$0x1] =	stream.linear.gather [hbm4b:s4+s3], $0x2000, $0x38;
	[tilespmem:$0x7620] =	vst v63  }
0x7f: {  	_ = 	snop  }
0x80: {  	[tilespmem:s9], [sflag:$0x2] =	stream.linear.gather [hbm4b:s5+s3], $0x2000, $0x38;
	[tilespmem:$0x7620] =	vst v63  }
0x81: {  	s19 =	simm.s32 @!p0 $0x1C04  }
0x82: {  	[tilespmem:s10], [sflag:$0x3] =	stream.linear.gather [hbm4b:s6+s3], $0x80, $0x38;
	[tilespmem:$0x7620] =	vst v63  }
0x83: {  	[spmem:s11], [sflag:s19] =	dma.local @!p0 [hbm:s0], $0x640  }
0x84: {  	s19 =	simm.s32 @!p0 $0x4  }
0x85: {  	_ =	swait.ge @!p0 [sflag:s19], $0x640  }
0x86: {  	[sflag:s19] =	ssyncset.done @!p0 $0x0  }
0x87: {  	[sflag:s19] =	ssyncadd.s32 @!p0 $0xFFFFF9C0  }
0x88: {  	[bflag:$0x0] =	sbarrier.arrive $0xFFFF  }
0x89: {  	[tilespmem:s12], [sflag:$0x4] =	stream.linear.gather [spmem:s1], $0x3200, $0x38;
	[tilespmem:$0x7620] =	vst v63  }
0x8a: {  	_ =	swait.ge [sflag:s13], $0x3200  }
0x8b: {  	[sflag:s13] =	ssyncset.done $0x0  }
0x8c: {  	[sflag:s13] =	ssyncadd.s32 $0xFFFFCE00  }
0x8d: {  	_ =	swait.ge [sflag:s14], $0x80  }
0x8e: {  	[sflag:s14] =	ssyncset.done $0x0  }
0x8f: {  	[sflag:s14] =	ssyncadd.s32 $0xFFFFFF80  }
0x90: {  	_ =	swait.ge [sflag:s15], $0x2000  }
0x91: {  	[sflag:s15] =	ssyncset.done $0x0  }
0x92: {  	v34 =	vimm.f32 $0.0e+00;
	s19 =	simm.s32 $0x0;
	[sflag:s15] =	ssyncadd.s32 $0xFFFFE000  }
.LBB2_2:
0x93: {  	s20 =	sshll.u32 s19, $0x4  }
0x94: {  	s20 =	sand.u32 $0x3FFFFFF0, s20  }
0x95: {  	v23 =	vld [tilespmem:s20+$0x4000];
	_ =	sdelay $0x1  }
0x96: {  	s31 =	sshll.u32 s19, $0xB  }
0x97: {  	v38 =	vor.u32 s31, v25  }
0x98: {  	v39 =	vadd.s32 $0x1, v38  }
0x99: {  	v0 =	vlaneseq.u32;
	v41 =	vadd.s32 $0x2, v38;
	v36 =	vshll.u32 v23, $0x7  }
0x9a: {  	v23 =	vadd.s32 $0x7, v38;
	v47 =	vor.u32 v0, v36  }
0x9b: {  	v37 =	vadd.s32 $0x7, v47  }
0x9c: {  	v44 =	vadd.s32 $0x3, v38;
	v43 =	vld.idx.msk [tilespmem:v38+s3+$0x0], $0xffff  }
0x9d: {  	v46 =	vadd.s32 $0x4, v38;
	v39 =	vld.idx.msk [tilespmem:v39+s3+$0x0], $0xffff  }
0x9e: {  	v49 =	vld.idx.msk [tilespmem:v41+s3+$0x0], $0xffff;
	v40 =	vadd.s32 $0x1, v47  }
0x9f: {  	v42 =	vadd.s32 $0x2, v47;
	v23 =	vld.idx.msk [tilespmem:v23+s3+$0x0], $0xffff  }
0xa0: {  	v45 =	vadd.s32 $0x3, v47;
	v37 =	vld.idx.msk [tilespmem:v37+s12+$0x0], $0xffff  }
0xa1: {  	v52 =	vld.idx.msk [tilespmem:v44+s3+$0x0], $0xffff;
	v48 =	vadd.s32 $0x4, v47  }
0xa2: {  	v11 =	vadd.s32 $0x5, v38;
	v50 =	vadd.s32 $0x8, v38;
	v54 =	vld.idx.msk [tilespmem:v46+s3+$0x0], $0xffff  }
0xa3: {  	v62 =	vimm.f32 $0.0e+00;
	v60 =	vadd.s32 $0x6, v38;
	v63 =	vadd.s32 $0x7, v50;
	v40 =	vld.idx.msk [tilespmem:v40+s12+$0x0], $0xffff  }
0xa4: {  	v46 =	vimm.f32 $0.0e+00;
	v44 =	vimm.f32 $0.0e+00;
	v35 =	vadd.s32 $0x5, v47;
	v51 =	vld.idx.msk [tilespmem:v42+s12+$0x0], $0xffff  }
0xa5: {  	v41 =	vimm.f32 $0.0e+00;
	v58 =	vadd.s32 $0x6, v47;
	v53 =	vld.idx.msk [tilespmem:v45+s12+$0x0], $0xffff;
	v23 =	vsub.f32 v23, v37  }
0xa6: {  	v56 =	vld.idx.msk [tilespmem:v48+s12+$0x0], $0xffff;
	v48 =	vadd.s32 $0x8, v47;
	v45 =	vimm.f32 $0.0e+00;
	v42 =	vimm.f32 $0.0e+00  }
0xa7: {  	v57 =	vld.idx.msk [tilespmem:v11+s3+$0x0], $0xffff;
	v61 =	vadd.s32 $0x1, v48;
	v37 =	vmov s31;
	v23 =	vmul.f32 v23, v23  }
0xa8: {  	v60 =	vld.idx.msk [tilespmem:v60+s3+$0x0], $0xffff;
	v55 =	vsub.f32 v39, v40;
	v39 =	vimm.f32 $0.0e+00;
	v40 =	vimm.f32 $0.0e+00  }
0xa9: {  	s20 =	simm.s32 $0xC;
	v59 =	vld.idx.msk [tilespmem:v35+s12+$0x0], $0xffff;
	v38 =	vadd.f32 v23, v62;
	v62 =	vadd.s32 $0x1, v50;
	v23 =	vadd.s32 $0x7, v48  }
.LBB2_3:
0xaa: {  	p1 =	sne.s32 s20, $0x1;
	v35 =	vadd.s32 $0x2, v50;
	v0 =	vadd.s32 $0x2, v48;
	v1 =	vadd.s32 $0x3, v50;
	v2 =	vld.idx.msk [tilespmem:v58+s12+$0x0], $0xffff  }
0xab: {  	v3 =	vadd.s32 $0x3, v48;
	v4 =	vadd.s32 $0x4, v50;
	v5 =	vadd.s32 $0x4, v48;
	v6 =	vld.idx.msk [tilespmem:v47+s12+$0x0], $0xffff;
	v47 =	vmovc v48  }
0xac: {  	v8 =	vadd.s32 $0x5, v50;
	v9 =	vadd.s32 $0x5, v48;
	v10 =	vadd.s32 $0x6, v50;
	v7 =	vld.idx.msk [tilespmem:v50+s3+$0x0], $0xffff  }
0xad: {  	v58 =	vadd.s32 $0x6, v48;
	v49 =	vsub.f32 v49, v51;
	v51 =	vsub.f32 v52, v53;
	v63 =	vld.idx.msk [tilespmem:v63+s3+$0x0], $0xffff  }
0xae: {  	v52 =	vmul.f32 v55, v55;
	v53 =	vsub.f32 v54, v56;
	v54 =	vsub.f32 v57, v59;
	v23 =	vld.idx.msk [tilespmem:v23+s12+$0x0], $0xffff  }
0xaf: {  	v56 =	vmul.f32 v49, v49;
	v57 =	vmul.f32 v51, v51;
	v55 =	vld.idx.msk [tilespmem:v62+s3+$0x0], $0xffff  }
0xb0: {  	v53 =	vmul.f32 v53, v53;
	v54 =	vmul.f32 v54, v54;
	v2 =	vsub.f32 v60, v2;
	v59 =	vld.idx.msk [tilespmem:v61+s12+$0x0], $0xffff  }
0xb1: {  	v46 =	vadd.f32 v52, v46;
	v6 =	vsub.f32 v43, v6;
	v49 =	vld.idx.msk [tilespmem:v35+s3+$0x0], $0xffff  }
0xb2: {  	v45 =	vadd.f32 v56, v45;
	v44 =	vadd.f32 v57, v44;
	v51 =	vld.idx.msk [tilespmem:v0+s12+$0x0], $0xffff;
	v0 =	vmul.f32 v2, v2  }
0xb3: {  	v41 =	vadd.f32 v53, v41;
	v42 =	vadd.f32 v54, v42;
	v52 =	vld.idx.msk [tilespmem:v1+s3+$0x0], $0xffff;
	v1 =	vmul.f32 v6, v6  }
0xb4: {  	v43 =	vmov v7;
	v2 =	vsub.f32 v63, v23;
	v53 =	vld.idx.msk [tilespmem:v3+s12+$0x0], $0xffff;
	v39 =	vadd.f32 v0, v39  }
.Ltmp0:
0xb5: {  	v54 =	vld.idx.msk [tilespmem:v4+s3+$0x0], $0xffff;
	v40 =	vadd.f32 v1, v40;
	(pc) =	sbr.rel @p1 .LBB2_3-.Ltmp0, $4  }
0xb6: {  	v55 =	vsub.f32 v55, v59;
	v0 =	vmul.f32 v2, v2;
	v56 =	vld.idx.msk [tilespmem:v5+s12+$0x0], $0xffff  }
0xb7: {  	v50 =	vadd.s32 $0x8, v50;
	v57 =	vld.idx.msk [tilespmem:v8+s3+$0x0], $0xffff  }
0xb8: {  	v48 =	vadd.s32 $0x8, v48;
	v63 =	vadd.s32 $0x7, v50;
	v38 =	vadd.f32 v0, v38;
	v59 =	vld.idx.msk [tilespmem:v9+s12+$0x0], $0xffff  }
0xb9: {  	s20 =	sadd.s32 $0xFFFFFFFF, s20;
	v62 =	vadd.s32 $0x1, v50;
	v61 =	vadd.s32 $0x1, v48;
	v23 =	vadd.s32 $0x7, v48;
	v60 =	vld.idx.msk [tilespmem:v10+s3+$0x0], $0xffff  }
0xba: {  	_ =	sdelay $0x3  }
0xbb: {  	v0 =	vld.idx.msk [tilespmem:v58+s12+$0x0], $0xffff  }
0xbc: {  	v1 =	vld.idx.msk [tilespmem:v47+s12+$0x0], $0xffff  }
0xbd: {  	v3 =	vld.idx.msk [tilespmem:v50+s3+$0x0], $0xffff  }
0xbe: {  	v5 =	vld.idx.msk [tilespmem:v63+s3+$0x0], $0xffff  }
0xbf: {  	v7 =	vld.idx.msk [tilespmem:v23+s12+$0x0], $0xffff  }
0xc0: {  	v2 =	vadd.s32 $0x2, v50;
	v9 =	vld.idx.msk [tilespmem:v62+s3+$0x0], $0xffff  }
0xc1: {  	v4 =	vadd.s32 $0x2, v48;
	v23 =	vld.idx.msk [tilespmem:v61+s12+$0x0], $0xffff  }
0xc2: {  	v6 =	vadd.s32 $0x3, v50;
	v8 =	vadd.s32 $0x3, v48;
	v11 =	vld [tilespmem:$0x1FF30]  }
0xc3: {  	v35 =	vadd.s32 $0x4, v48;
	v58 =	vadd.s32 $0x5, v48;
	v61 =	vadd.s32 $0x6, v48;
	v48 =	vld.idx.msk [tilespmem:v48+s12+$0x0], $0xffff  }
0xc4: {  	v10 =	vadd.s32 $0x4, v50;
	v49 =	vsub.f32 v49, v51;
	v51 =	vsub.f32 v52, v53;
	v52 =	vld [tilespmem:$0x1FF40]  }
0xc5: {  	v2 =	vld.idx.msk [tilespmem:v2+s3+$0x0], $0xffff  }
0xc6: {  	v47 =	vadd.s32 $0x5, v50;
	v4 =	vld.idx.msk [tilespmem:v4+s12+$0x0], $0xffff  }
0xc7: {  	v6 =	vld.idx.msk [tilespmem:v6+s3+$0x0], $0xffff  }
0xc8: {  	v50 =	vadd.s32 $0x6, v50;
	v8 =	vld.idx.msk [tilespmem:v8+s12+$0x0], $0xffff  }
0xc9: {  	v10 =	vld.idx.msk [tilespmem:v10+s3+$0x0], $0xffff  }
0xca: {  	v62 =	vor.u32 v28, v37;
	v35 =	vld.idx.msk [tilespmem:v35+s12+$0x0], $0xffff  }
0xcb: {  	v63 =	vor.u32 v31, v36;
	v47 =	vld.idx.msk [tilespmem:v47+s3+$0x0], $0xffff  }
0xcc: {  	v58 =	vld.idx.msk [tilespmem:v58+s12+$0x0], $0xffff  }
0xcd: {  	v12 =	vor.u32 v26, v36;
	v50 =	vld.idx.msk [tilespmem:v50+s3+$0x0], $0xffff  }
0xce: {  	v61 =	vld.idx.msk [tilespmem:v61+s12+$0x0], $0xffff  }
0xcf: {  	v53 =	vsub.f32 v54, v56;
	v56 =	vld.idx.msk [tilespmem:v62+s3+$0x0], $0xffff  }
0xd0: {  	v54 =	vsub.f32 v57, v59;
	v57 =	vor.u32 v29, v36;
	v59 =	vld.idx.msk [tilespmem:v63+s12+$0x0], $0xffff  }
0xd1: {  	v11 =	vor.u32 v11, v37;
	v0 =	vsub.f32 v60, v0;
	v60 =	vld [tilespmem:$0x1FF50]  }
0xd2: {  	v51 =	vmul.f32 v51, v51;
	v52 =	vor.u32 v52, v37;
	v12 =	vld.idx.msk [tilespmem:v12+s12+$0x0], $0xffff  }
0xd3: {  	v1 =	vsub.f32 v43, v1;
	v43 =	vor.u32 v32, v36;
	v63 =	vld [tilespmem:$0x1FF60];
	v5 =	vsub.f32 v5, v7  }
0xd4: {  	v62 =	vld [tilespmem:$0x1FF70]  }
0xd5: {  	v49 =	vmul.f32 v49, v49;
	v44 =	vadd.f32 v51, v44;
	v5 =	vmul.f32 v5, v5;
	v51 =	vld.idx.msk [tilespmem:v57+s12+$0x0], $0xffff  }
0xd6: {  	v55 =	vmul.f32 v55, v55;
	v11 =	vld.idx.msk [tilespmem:v11+s3+$0x0], $0xffff  }
0xd7: {  	v45 =	vadd.f32 v49, v45;
	v5 =	vadd.f32 v5, v38;
	v38 =	vor.u32 v22, v36;
	v49 =	vld.idx.msk [tilespmem:v52+s3+$0x0], $0xffff  }
0xd8: {  	v60 =	vor.u32 v60, v37;
	v43 =	vld.idx.msk [tilespmem:v43+s12+$0x0], $0xffff  }
0xd9: {  	v46 =	vadd.f32 v55, v46;
	v55 =	vor.u32 v63, v37;
	v63 =	vld [tilespmem:$0x1FF80]  }
0xda: {  	v9 =	vsub.f32 v9, v23;
	v52 =	vor.u32 v19, v36;
	v57 =	vor.u32 v62, v37;
	v62 =	vld [tilespmem:$0x1FF90]  }
0xdb: {  	v47 =	vsub.f32 v47, v58;
	v58 =	vld [tilespmem:$0x1FFC0]  }
0xdc: {  	v54 =	vmul.f32 v54, v54;
	v9 =	vmul.f32 v9, v9;
	v38 =	vld.idx.msk [tilespmem:v38+s12+$0x0], $0xffff  }
0xdd: {  	v0 =	vmul.f32 v0, v0;
	v7 =	vld.idx.msk [tilespmem:v60+s3+$0x0], $0xffff  }
0xde: {  	v42 =	vadd.f32 v54, v42;
	v9 =	vadd.f32 v9, v46;
	v46 =	vor.u32 v30, v36;
	v54 =	vld.idx.msk [tilespmem:v55+s3+$0x0], $0xffff  }
0xdf: {  	v53 =	vmul.f32 v53, v53;
	v0 =	vadd.f32 v0, v39;
	v60 =	vor.u32 v20, v36;
	v39 =	vld.idx.msk [tilespmem:v52+s12+$0x0], $0xffff  }
0xe0: {  	v1 =	vmul.f32 v1, v1;
	v23 =	vld.idx.msk [tilespmem:v57+s3+$0x0], $0xffff  }
0xe1: {  	v41 =	vadd.f32 v53, v41;
	v53 =	vor.u32 v63, v37;
	v57 =	vld [tilespmem:$0x1FFA0]  }
0xe2: {  	v1 =	vadd.f32 v1, v40;
	v55 =	vor.u32 v21, v36;
	v40 =	vor.u32 v62, v37;
	v62 =	vld [tilespmem:$0x1FFB0]  }
0xe3: {  	v11 =	vsub.f32 v11, v12;
	v12 =	vld.idx.msk [tilespmem:v46+s12+$0x0], $0xffff  }
0xe4: {  	v63 =	vsub.f32 v6, v8;
	v6 =	vld.idx.msk [tilespmem:v60+s12+$0x0], $0xffff;
	v60 =	vor.u32 v24, v36  }
0xe5: {  	v3 =	vsub.f32 v3, v48;
	v48 =	vor.u32 v58, v37;
	v58 =	vsub.f32 v56, v59;
	v59 =	vld [tilespmem:$0x1FFF0]  }
0xe6: {  	v10 =	vsub.f32 v10, v35;
	v35 =	vld.idx.msk [tilespmem:v53+s3+$0x0], $0xffff  }
0xe7: {  	v2 =	vsub.f32 v2, v4;
	v4 =	vmul.f32 v63, v63;
	v63 =	vor.u32 v27, v36;
	v53 =	vld.idx.msk [tilespmem:v55+s12+$0x0], $0xffff  }
0xe8: {  	v55 =	vor.u32 v62, v37;
	v62 =	vld [tilespmem:$0x1FFE0]  }
0xe9: {  	v10 =	vmul.f32 v10, v10;
	v4 =	vadd.f32 v4, v44;
	v8 =	vor.u32 v57, v37;
	v44 =	vld.idx.msk [tilespmem:v60+s12+$0x0], $0xffff  }
0xea: {  	v3 =	vmul.f32 v3, v3;
	v47 =	vmul.f32 v47, v47;
	v60 =	vld [tilespmem:$0x1FFD0]  }
0xeb: {  	v2 =	vmul.f32 v2, v2;
	v10 =	vadd.f32 v10, v41;
	v40 =	vld.idx.msk [tilespmem:v40+s3+$0x0], $0xffff;
	v46 =	vor.u32 v59, v37  }
0xec: {  	v41 =	vadd.f32 v47, v42;
	v49 =	vsub.f32 v49, v51;
	v42 =	vld.idx.msk [tilespmem:v63+s12+$0x0], $0xffff;
	v63 =	vor.u32 v15, v36  }
0xed: {  	v50 =	vsub.f32 v50, v61;
	v61 =	vor.u32 v33, v36;
	v1 =	vadd.f32 v3, v1;
	v3 =	vld.idx.msk [tilespmem:v48+s3+$0x0], $0xffff  }
0xee: {  	v2 =	vadd.f32 v2, v45;
	v49 =	vmul.f32 v49, v49;
	v8 =	vld.idx.msk [tilespmem:v8+s3+$0x0], $0xffff;
	v47 =	vor.u32 v62, v37  }
0xef: {  	v50 =	vmul.f32 v50, v50;
	v52 =	vld.idx.msk [tilespmem:v55+s3+$0x0], $0xffff;
	v45 =	vor.u32 v60, v37  }
0xf0: {  	v2 =	vadd.f32 v49, v2;
	v62 =	vor.u32 v17, v36;
	v49 =	vld.idx.msk [tilespmem:v46+s3+$0x0], $0xffff  }
0xf1: {  	v0 =	vadd.f32 v50, v0;
	v50 =	vmul.f32 v58, v58;
	v48 =	vor.u32 v14, v37;
	v63 =	vld.idx.msk [tilespmem:v63+s12+$0x0], $0xffff  }
0xf2: {  	v11 =	vmul.f32 v11, v11;
	v60 =	vld.idx.msk [tilespmem:v61+s12+$0x0], $0xffff;
	v61 =	vor.u32 v13, v37  }
0xf3: {  	v1 =	vadd.f32 v50, v1;
	v50 =	vor.u32 v18, v36;
	v7 =	vsub.f32 v7, v43;
	v47 =	vld.idx.msk [tilespmem:v47+s3+$0x0], $0xffff  }
0xf4: {  	v39 =	vsub.f32 v54, v39;
	v43 =	vld.idx.msk [tilespmem:v45+s3+$0x0], $0xffff;
	v45 =	vor.u32 v16, v36  }
0xf5: {  	v9 =	vadd.f32 v11, v9;
	v7 =	vmul.f32 v7, v7;
	v6 =	vsub.f32 v23, v6;
	v54 =	vld.idx.msk [tilespmem:v62+s12+$0x0], $0xffff  }
0xf6: {  	v39 =	vmul.f32 v39, v39;
	v35 =	vsub.f32 v35, v53;
	v38 =	vsub.f32 v40, v38;
	v37 =	vld.idx.msk [tilespmem:v48+s3+$0x0], $0xffff  }
0xf7: {  	v4 =	vadd.f32 v7, v4;
	v3 =	vsub.f32 v3, v12;
	v6 =	vmul.f32 v6, v6;
	v53 =	vld.idx.msk [tilespmem:v61+s3+$0x0], $0xffff  }
0xf8: {  	v35 =	vmul.f32 v35, v35;
	v38 =	vmul.f32 v38, v38;
	v8 =	vsub.f32 v8, v44;
	v36 =	vld.idx.msk [tilespmem:v50+s12+$0x0], $0xffff  }
0xf9: {  	v10 =	vadd.f32 v39, v10;
	v3 =	vmul.f32 v3, v3;
	v6 =	vadd.f32 v6, v41;
	v23 =	vld.idx.msk [tilespmem:v45+s12+$0x0], $0xffff  }
0xfa: {  	v0 =	vadd.f32 v35, v0;
	v5 =	vadd.f32 v38, v5;
	v8 =	vmul.f32 v8, v8  }
0xfb: {  	v2 =	vadd.f32 v3, v2;
	v42 =	vsub.f32 v52, v42  }
0xfc: {  	v1 =	vadd.f32 v8, v1;
	v11 =	vsub.f32 v47, v63  }
0xfd: {  	v55 =	vmul.f32 v42, v42;
	v57 =	vsub.f32 v43, v60;
	v12 =	vsub.f32 v53, v54  }
0xfe: {  	v58 =	vmul.f32 v11, v11;
	v7 =	vsub.f32 v49, v23;
	v23 =	vsub.f32 v37, v36  }
0xff: {  	v56 =	vadd.f32 v55, v9;
	v9 =	vmul.f32 v57, v57;
	v59 =	vmul.f32 v12, v12  }
0x100: {  	v3 =	vadd.f32 v58, v10;
	v7 =	vmul.f32 v7, v7;
	v60 =	vmul.f32 v23, v23  }
0x101: {  	v4 =	vadd.f32 v9, v4;
	v0 =	vadd.f32 v59, v0  }
0x102: {  	v6 =	vadd.f32 v7, v6;
	v5 =	vadd.f32 v60, v5  }
0x103: {  	v1 =	vadd.f32 v56, v1;
	v2 =	vadd.f32 v4, v2  }
0x104: {  	v3 =	vadd.f32 v6, v3;
	v0 =	vadd.f32 v5, v0;
	_ =	sdelay $0x1  }
0x105: {  	v1 =	vadd.f32 v2, v1;
	v0 =	vadd.f32 v0, v3;
	_ =	sdelay $0x1  }
0x106: {  	v0 =	vadd.f32 v0, v1;
	_ =	sdelay $0x1  }
0x107: {  	v0 =	vmax.f32 v0, $1.000000000e-30  }
0x108: {  	v61 =	vshrl.u32 v0, $0x1;
	v62 =	vmul.f32 $5.000000000e-01, v0  }
0x109: {  	v1 =	vsub.s32 $0x5F3759DF, v61  }
0x10a: {  	v63 =	vmul.f32 v1, v62;
	_ =	sdelay $0x1  }
0x10b: {  	v3 =	vmul.f32 v1, v63;
	_ =	sdelay $0x1  }
0x10c: {  	v3 =	vsub.f32 $1.500000000e+00, v3;
	_ =	sdelay $0x1  }
0x10d: {  	v1 =	vmul.f32 v1, v3;
	_ =	sdelay $0x1  }
0x10e: {  	v3 =	vmul.f32 v1, v62;
	_ =	sdelay $0x1  }
0x10f: {  	v3 =	vmul.f32 v3, v1;
	_ =	sdelay $0x1  }
0x110: {  	v3 =	vsub.f32 $1.500000000e+00, v3;
	_ =	sdelay $0x1  }
0x111: {  	v1 =	vmul.f32 v3, v1;
	_ =	sdelay $0x1  }
0x112: {  	v2 =	vmul.f32 v1, v62;
	_ =	sdelay $0x1  }
0x113: {  	v2 =	vmul.f32 v2, v1;
	_ =	sdelay $0x1  }
0x114: {  	s19 =	sadd.s32 $0x1, s19;
	v2 =	vsub.f32 $1.500000000e+00, v2  }
0x115: {  	p1 =	sne.s32 s19, $0x4  }
.Ltmp1:
0x116: {  	v1 =	vmul.f32 v2, v1;
	(pc) =	sbr.rel @p1 .LBB2_2-.Ltmp1, $3  }
0x117: {  	_ = 	snop  }
0x118: {  	v0 =	vmul.f32 v1, v0;
	_ =	sdelay $0x1  }
0x119: {  	v34 =	vadd.f32 v0, v34  }
0x11a: {  	_ =	swait.ge [sflag:s16], $0x2000  }
0x11b: {  	[sflag:s16] =	ssyncset.done $0x0  }
0x11c: {  	s19 =	simm.s32 $0x4;
	[sflag:s16] =	ssyncadd.s32 $0xFFFFE000  }
.LBB2_6:
0x11d: {  	s20 =	sshll.u32 s19, $0x4  }
0x11e: {  	s20 =	sand.u32 $0x3FFFFFF0, s20  }
0x11f: {  	v0 =	vld [tilespmem:s20+$0x4000];
	_ =	sdelay $0x1  }
0x120: {  	s31 =	sshll.u32 s19, $0xB  }
0x121: {  	v1 =	vor.u32 s31, v25  }
0x122: {  	v40 =	vadd.s32 $0x7, v1  }
0x123: {  	v39 =	vlaneseq.u32;
	v3 =	vadd.s32 $0x1, v1;
	v35 =	vshll.u32 v0, $0x7  }
0x124: {  	v5 =	vadd.s32 $0x2, v1;
	v46 =	vor.u32 v39, v35  }
0x125: {  	v2 =	vadd.s32 $0x7, v46  }
0x126: {  	v7 =	vadd.s32 $0x3, v1;
	v43 =	vld.idx.msk [tilespmem:v1+s3+$0x0], $0xffff  }
0x127: {  	v9 =	vadd.s32 $0x4, v1;
	v0 =	vld.idx.msk [tilespmem:v40+s3+$0x0], $0xffff  }
0x128: {  	v41 =	vadd.s32 $0x5, v1;
	v3 =	vld.idx.msk [tilespmem:v3+s3+$0x0], $0xffff  }
0x129: {  	v48 =	vld.idx.msk [tilespmem:v5+s3+$0x0], $0xffff;
	v4 =	vadd.s32 $0x1, v46  }
0x12a: {  	v11 =	vadd.s32 $0x6, v1;
	v2 =	vld.idx.msk [tilespmem:v2+s12+$0x0], $0xffff  }
0x12b: {  	v51 =	vld.idx.msk [tilespmem:v7+s3+$0x0], $0xffff;
	v6 =	vadd.s32 $0x2, v46  }
0x12c: {  	v53 =	vld.idx.msk [tilespmem:v9+s3+$0x0], $0xffff;
	v8 =	vadd.s32 $0x3, v46  }
0x12d: {  	v38 =	vimm.f32 $0.0e+00;
	v45 =	vimm.f32 $0.0e+00;
	v56 =	vld.idx.msk [tilespmem:v41+s3+$0x0], $0xffff;
	v10 =	vadd.s32 $0x4, v46  }
0x12e: {  	v44 =	vimm.f32 $0.0e+00;
	v36 =	vmov s31;
	v42 =	vadd.s32 $0x5, v46;
	v4 =	vld.idx.msk [tilespmem:v4+s12+$0x0], $0xffff  }
0x12f: {  	v50 =	vadd.s32 $0x8, v1;
	v59 =	vld.idx.msk [tilespmem:v11+s3+$0x0], $0xffff;
	v57 =	vadd.s32 $0x6, v46;
	v0 =	vsub.f32 v0, v2  }
0x130: {  	v62 =	vadd.s32 $0x7, v50;
	v61 =	vadd.s32 $0x1, v50;
	v41 =	vimm.f32 $0.0e+00;
	v49 =	vld.idx.msk [tilespmem:v6+s12+$0x0], $0xffff  }
0x131: {  	v40 =	vimm.f32 $0.0e+00;
	v47 =	vadd.s32 $0x8, v46;
	v52 =	vld.idx.msk [tilespmem:v8+s12+$0x0], $0xffff;
	v0 =	vmul.f32 v0, v0  }
0x132: {  	v39 =	vimm.f32 $0.0e+00;
	v60 =	vadd.s32 $0x1, v47;
	v23 =	vadd.s32 $0x7, v47;
	v55 =	vld.idx.msk [tilespmem:v10+s12+$0x0], $0xffff  }
0x133: {  	s20 =	simm.s32 $0xC;
	v58 =	vld.idx.msk [tilespmem:v42+s12+$0x0], $0xffff;
	v42 =	vimm.f32 $0.0e+00;
	v54 =	vsub.f32 v3, v4;
	v37 =	vadd.f32 v0, v38  }
.LBB2_7:
0x134: {  	p1 =	sne.s32 s20, $0x1;
	v0 =	vadd.s32 $0x2, v50;
	v1 =	vadd.s32 $0x2, v47;
	v2 =	vadd.s32 $0x3, v50;
	v3 =	vld.idx.msk [tilespmem:v57+s12+$0x0], $0xffff  }
0x135: {  	v4 =	vadd.s32 $0x3, v47;
	v5 =	vadd.s32 $0x4, v50;
	v6 =	vadd.s32 $0x4, v47;
	v7 =	vld.idx.msk [tilespmem:v46+s12+$0x0], $0xffff;
	v46 =	vmovc v47  }
0x136: {  	v9 =	vadd.s32 $0x5, v50;
	v10 =	vadd.s32 $0x5, v47;
	v11 =	vadd.s32 $0x6, v50;
	v8 =	vld.idx.msk [tilespmem:v50+s3+$0x0], $0xffff  }
0x137: {  	v57 =	vadd.s32 $0x6, v47;
	v48 =	vsub.f32 v48, v49;
	v49 =	vsub.f32 v51, v52;
	v12 =	vld.idx.msk [tilespmem:v62+s3+$0x0], $0xffff  }
0x138: {  	v51 =	vmul.f32 v54, v54;
	v52 =	vsub.f32 v53, v55;
	v53 =	vsub.f32 v56, v58;
	v23 =	vld.idx.msk [tilespmem:v23+s12+$0x0], $0xffff  }
0x139: {  	v55 =	vmul.f32 v48, v48;
	v56 =	vmul.f32 v49, v49;
	v54 =	vld.idx.msk [tilespmem:v61+s3+$0x0], $0xffff  }
0x13a: {  	v52 =	vmul.f32 v52, v52;
	v53 =	vmul.f32 v53, v53;
	v3 =	vsub.f32 v59, v3;
	v58 =	vld.idx.msk [tilespmem:v60+s12+$0x0], $0xffff  }
0x13b: {  	v38 =	vadd.f32 v51, v38;
	v48 =	vld.idx.msk [tilespmem:v0+s3+$0x0], $0xffff;
	v0 =	vsub.f32 v43, v7  }
0x13c: {  	v45 =	vadd.f32 v55, v45;
	v44 =	vadd.f32 v56, v44;
	v49 =	vld.idx.msk [tilespmem:v1+s12+$0x0], $0xffff;
	v1 =	vmul.f32 v3, v3  }
0x13d: {  	v41 =	vadd.f32 v52, v41;
	v42 =	vadd.f32 v53, v42;
	v51 =	vld.idx.msk [tilespmem:v2+s3+$0x0], $0xffff;
	v0 =	vmul.f32 v0, v0  }
0x13e: {  	v43 =	vmov v8;
	v2 =	vsub.f32 v12, v23;
	v52 =	vld.idx.msk [tilespmem:v4+s12+$0x0], $0xffff;
	v39 =	vadd.f32 v1, v39  }
.Ltmp2:
0x13f: {  	v53 =	vld.idx.msk [tilespmem:v5+s3+$0x0], $0xffff;
	v40 =	vadd.f32 v0, v40;
	(pc) =	sbr.rel @p1 .LBB2_7-.Ltmp2, $4  }
0x140: {  	v54 =	vsub.f32 v54, v58;
	v0 =	vmul.f32 v2, v2;
	v55 =	vld.idx.msk [tilespmem:v6+s12+$0x0], $0xffff  }
0x141: {  	v50 =	vadd.s32 $0x8, v50;
	v56 =	vld.idx.msk [tilespmem:v9+s3+$0x0], $0xffff  }
0x142: {  	v47 =	vadd.s32 $0x8, v47;
	v62 =	vadd.s32 $0x7, v50;
	v37 =	vadd.f32 v0, v37;
	v58 =	vld.idx.msk [tilespmem:v10+s12+$0x0], $0xffff  }
0x143: {  	s20 =	sadd.s32 $0xFFFFFFFF, s20;
	v61 =	vadd.s32 $0x1, v50;
	v60 =	vadd.s32 $0x1, v47;
	v23 =	vadd.s32 $0x7, v47;
	v59 =	vld.idx.msk [tilespmem:v11+s3+$0x0], $0xffff  }
0x144: {  	_ =	sdelay $0x3  }
0x145: {  	v0 =	vld.idx.msk [tilespmem:v57+s12+$0x0], $0xffff  }
0x146: {  	v1 =	vld.idx.msk [tilespmem:v46+s12+$0x0], $0xffff  }
0x147: {  	v3 =	vld.idx.msk [tilespmem:v50+s3+$0x0], $0xffff  }
0x148: {  	v5 =	vld.idx.msk [tilespmem:v62+s3+$0x0], $0xffff  }
0x149: {  	v7 =	vld.idx.msk [tilespmem:v23+s12+$0x0], $0xffff  }
0x14a: {  	v2 =	vadd.s32 $0x2, v50;
	v9 =	vld.idx.msk [tilespmem:v61+s3+$0x0], $0xffff  }
0x14b: {  	v4 =	vadd.s32 $0x2, v47;
	v11 =	vld.idx.msk [tilespmem:v60+s12+$0x0], $0xffff  }
0x14c: {  	v6 =	vadd.s32 $0x3, v50;
	v8 =	vadd.s32 $0x3, v47;
	v62 =	vld [tilespmem:$0x1FF30]  }
0x14d: {  	v12 =	vadd.s32 $0x4, v47;
	v46 =	vadd.s32 $0x5, v47;
	v57 =	vadd.s32 $0x6, v47;
	v47 =	vld.idx.msk [tilespmem:v47+s12+$0x0], $0xffff  }
0x14e: {  	v10 =	vadd.s32 $0x4, v50;
	v48 =	vsub.f32 v48, v49;
	v49 =	vsub.f32 v51, v52;
	v51 =	vld [tilespmem:$0x1FF40]  }
0x14f: {  	v2 =	vld.idx.msk [tilespmem:v2+s3+$0x0], $0xffff  }
0x150: {  	v23 =	vadd.s32 $0x5, v50;
	v4 =	vld.idx.msk [tilespmem:v4+s12+$0x0], $0xffff  }
0x151: {  	v6 =	vld.idx.msk [tilespmem:v6+s3+$0x0], $0xffff  }
0x152: {  	v50 =	vadd.s32 $0x6, v50;
	v8 =	vld.idx.msk [tilespmem:v8+s12+$0x0], $0xffff  }
0x153: {  	v10 =	vld.idx.msk [tilespmem:v10+s3+$0x0], $0xffff  }
0x154: {  	v60 =	vor.u32 v28, v36;
	v12 =	vld.idx.msk [tilespmem:v12+s12+$0x0], $0xffff  }
0x155: {  	v61 =	vor.u32 v31, v35;
	v23 =	vld.idx.msk [tilespmem:v23+s3+$0x0], $0xffff  }
0x156: {  	v46 =	vld.idx.msk [tilespmem:v46+s12+$0x0], $0xffff  }
0x157: {  	v63 =	vor.u32 v26, v35;
	v50 =	vld.idx.msk [tilespmem:v50+s3+$0x0], $0xffff  }
0x158: {  	v57 =	vld.idx.msk [tilespmem:v57+s12+$0x0], $0xffff  }
0x159: {  	v52 =	vsub.f32 v53, v55;
	v53 =	vsub.f32 v56, v58;
	v56 =	vor.u32 v29, v35;
	v55 =	vld.idx.msk [tilespmem:v60+s3+$0x0], $0xffff  }
0x15a: {  	v54 =	vmul.f32 v54, v54;
	v62 =	vor.u32 v62, v36;
	v58 =	vld.idx.msk [tilespmem:v61+s12+$0x0], $0xffff  }
0x15b: {  	v49 =	vmul.f32 v49, v49;
	v61 =	vld [tilespmem:$0x1FF50]  }
0x15c: {  	v38 =	vadd.f32 v54, v38;
	v51 =	vor.u32 v51, v36;
	v54 =	vld.idx.msk [tilespmem:v63+s12+$0x0], $0xffff;
	v5 =	vsub.f32 v5, v7  }
0x15d: {  	v48 =	vmul.f32 v48, v48;
	v60 =	vor.u32 v32, v35;
	v63 =	vld [tilespmem:$0x1FF70];
	v9 =	vsub.f32 v9, v11  }
0x15e: {  	v52 =	vmul.f32 v52, v52;
	v44 =	vadd.f32 v49, v44;
	v5 =	vmul.f32 v5, v5;
	v49 =	vld.idx.msk [tilespmem:v56+s12+$0x0], $0xffff  }
0x15f: {  	v0 =	vsub.f32 v59, v0;
	v1 =	vsub.f32 v43, v1;
	v9 =	vmul.f32 v9, v9;
	v43 =	vld.idx.msk [tilespmem:v62+s3+$0x0], $0xffff  }
0x160: {  	v5 =	vadd.f32 v5, v37;
	v37 =	vor.u32 v22, v35;
	v59 =	vor.u32 v61, v36;
	v61 =	vld [tilespmem:$0x1FF60]  }
0x161: {  	v45 =	vadd.f32 v48, v45;
	v9 =	vadd.f32 v9, v38;
	v38 =	vor.u32 v30, v35;
	v48 =	vld.idx.msk [tilespmem:v51+s3+$0x0], $0xffff  }
0x162: {  	v41 =	vadd.f32 v52, v41;
	v52 =	vld.idx.msk [tilespmem:v60+s12+$0x0], $0xffff  }
0x163: {  	v51 =	vor.u32 v19, v35;
	v60 =	vld [tilespmem:$0x1FF80]  }
0x164: {  	v56 =	vor.u32 v63, v36;
	v62 =	vld [tilespmem:$0x1FF90];
	v63 =	vsub.f32 v6, v8  }
0x165: {  	v0 =	vmul.f32 v0, v0;
	v37 =	vld.idx.msk [tilespmem:v37+s12+$0x0], $0xffff  }
0x166: {  	v2 =	vsub.f32 v2, v4;
	v4 =	vmul.f32 v63, v63;
	v63 =	vor.u32 v27, v35;
	v38 =	vld.idx.msk [tilespmem:v38+s12+$0x0], $0xffff  }
0x167: {  	v10 =	vsub.f32 v10, v12;
	v61 =	vor.u32 v61, v36;
	v7 =	vld.idx.msk [tilespmem:v59+s3+$0x0], $0xffff  }
0x168: {  	v1 =	vmul.f32 v1, v1;
	v0 =	vadd.f32 v0, v39;
	v59 =	vor.u32 v20, v35;
	v39 =	vld.idx.msk [tilespmem:v51+s12+$0x0], $0xffff  }
0x169: {  	v53 =	vmul.f32 v53, v53;
	v10 =	vmul.f32 v10, v10;
	v11 =	vld.idx.msk [tilespmem:v56+s3+$0x0], $0xffff  }
0x16a: {  	v1 =	vadd.f32 v1, v40;
	v60 =	vor.u32 v60, v36;
	v40 =	vor.u32 v62, v36;
	v62 =	vld [tilespmem:$0x1FFB0]  }
0x16b: {  	v3 =	vsub.f32 v3, v47;
	v10 =	vadd.f32 v10, v41;
	v41 =	vld.idx.msk [tilespmem:v63+s12+$0x0], $0xffff  }
0x16c: {  	v42 =	vadd.f32 v53, v42;
	v50 =	vsub.f32 v50, v57;
	v53 =	vld.idx.msk [tilespmem:v61+s3+$0x0], $0xffff  }
0x16d: {  	v3 =	vmul.f32 v3, v3;
	v48 =	vsub.f32 v48, v49;
	v49 =	vor.u32 v16, v35;
	v6 =	vld.idx.msk [tilespmem:v59+s12+$0x0], $0xffff  }
0x16e: {  	v58 =	vsub.f32 v55, v58;
	v50 =	vmul.f32 v50, v50;
	v59 =	vld [tilespmem:$0x1FFA0]  }
0x16f: {  	v1 =	vadd.f32 v3, v1;
	v61 =	vor.u32 v21, v35;
	v12 =	vld.idx.msk [tilespmem:v60+s3+$0x0], $0xffff  }
0x170: {  	v0 =	vadd.f32 v50, v0;
	v50 =	vmul.f32 v58, v58;
	v60 =	vor.u32 v24, v35;
	v40 =	vld.idx.msk [tilespmem:v40+s3+$0x0], $0xffff  }
0x171: {  	v2 =	vmul.f32 v2, v2;
	v56 =	vor.u32 v62, v36;
	v62 =	vld [tilespmem:$0x1FFE0]  }
0x172: {  	v23 =	vsub.f32 v23, v46;
	v1 =	vadd.f32 v50, v1;
	v50 =	vld.idx.msk [tilespmem:v49+s12+$0x0], $0xffff  }
0x173: {  	v2 =	vadd.f32 v2, v45;
	v48 =	vmul.f32 v48, v48;
	v8 =	vor.u32 v59, v36;
	v59 =	vld [tilespmem:$0x1FFC0]  }
0x174: {  	v55 =	vor.u32 v13, v36;
	v23 =	vmul.f32 v23, v23;
	v46 =	vld.idx.msk [tilespmem:v61+s12+$0x0], $0xffff  }
0x175: {  	v4 =	vadd.f32 v4, v44;
	v2 =	vadd.f32 v48, v2;
	v48 =	vor.u32 v18, v35;
	v44 =	vld.idx.msk [tilespmem:v60+s12+$0x0], $0xffff  }
0x176: {  	v60 =	vld [tilespmem:$0x1FFD0];
	v6 =	vsub.f32 v11, v6  }
0x177: {  	v23 =	vadd.f32 v23, v42;
	v51 =	vld.idx.msk [tilespmem:v56+s3+$0x0], $0xffff;
	v61 =	vor.u32 v33, v35  }
0x178: {  	v42 =	vor.u32 v62, v36;
	v6 =	vmul.f32 v6, v6;
	v47 =	vor.u32 v59, v36;
	v59 =	vld [tilespmem:$0x1FFF0]  }
0x179: {  	v63 =	vor.u32 v15, v35;
	v39 =	vsub.f32 v53, v39;
	v53 =	vld.idx.msk [tilespmem:v55+s3+$0x0], $0xffff  }
0x17a: {  	v6 =	vadd.f32 v6, v23;
	v23 =	vld.idx.msk [tilespmem:v48+s12+$0x0], $0xffff  }
0x17b: {  	v8 =	vld.idx.msk [tilespmem:v8+s3+$0x0], $0xffff;
	v45 =	vor.u32 v60, v36  }
0x17c: {  	v7 =	vsub.f32 v7, v52;
	v62 =	vor.u32 v14, v36;
	v52 =	vld.idx.msk [tilespmem:v61+s12+$0x0], $0xffff  }
0x17d: {  	v43 =	vsub.f32 v43, v54;
	v42 =	vld.idx.msk [tilespmem:v42+s3+$0x0], $0xffff;
	v54 =	vor.u32 v59, v36  }
0x17e: {  	v60 =	vor.u32 v17, v35;
	v61 =	vld.idx.msk [tilespmem:v63+s12+$0x0], $0xffff;
	v12 =	vsub.f32 v12, v46  }
0x17f: {  	v43 =	vmul.f32 v43, v43;
	v3 =	vld.idx.msk [tilespmem:v47+s3+$0x0], $0xffff  }
0x180: {  	v41 =	vsub.f32 v51, v41;
	v12 =	vmul.f32 v12, v12;
	v45 =	vld.idx.msk [tilespmem:v45+s3+$0x0], $0xffff  }
0x181: {  	v9 =	vadd.f32 v43, v9;
	v7 =	vmul.f32 v7, v7;
	v39 =	vmul.f32 v39, v39;
	v36 =	vld.idx.msk [tilespmem:v62+s3+$0x0], $0xffff  }
0x182: {  	v37 =	vsub.f32 v40, v37;
	v0 =	vadd.f32 v12, v0;
	v12 =	vmul.f32 v41, v41;
	v63 =	vld.idx.msk [tilespmem:v54+s3+$0x0], $0xffff  }
0x183: {  	v4 =	vadd.f32 v7, v4;
	v10 =	vadd.f32 v39, v10;
	v54 =	vld.idx.msk [tilespmem:v60+s12+$0x0], $0xffff  }
0x184: {  	v37 =	vmul.f32 v37, v37;
	v8 =	vsub.f32 v8, v44;
	v55 =	vadd.f32 v12, v9  }
0x185: {  	v12 =	vsub.f32 v42, v61;
	v3 =	vsub.f32 v3, v38  }
0x186: {  	v5 =	vadd.f32 v37, v5;
	v8 =	vmul.f32 v8, v8;
	v56 =	vsub.f32 v45, v52  }
0x187: {  	v58 =	vmul.f32 v12, v12;
	v23 =	vsub.f32 v36, v23;
	v3 =	vmul.f32 v3, v3  }
0x188: {  	v9 =	vmul.f32 v56, v56;
	v7 =	vsub.f32 v63, v50;
	v57 =	vsub.f32 v53, v54  }
0x189: {  	v1 =	vadd.f32 v8, v1;
	v60 =	vmul.f32 v23, v23;
	v2 =	vadd.f32 v3, v2  }
0x18a: {  	v4 =	vadd.f32 v9, v4;
	v7 =	vmul.f32 v7, v7;
	v59 =	vmul.f32 v57, v57  }
0x18b: {  	v3 =	vadd.f32 v58, v10;
	v5 =	vadd.f32 v60, v5  }
0x18c: {  	v6 =	vadd.f32 v7, v6;
	v0 =	vadd.f32 v59, v0  }
0x18d: {  	v1 =	vadd.f32 v55, v1;
	v2 =	vadd.f32 v4, v2  }
0x18e: {  	v3 =	vadd.f32 v6, v3;
	v0 =	vadd.f32 v5, v0;
	_ =	sdelay $0x1  }
0x18f: {  	v1 =	vadd.f32 v2, v1;
	v0 =	vadd.f32 v0, v3;
	_ =	sdelay $0x1  }
0x190: {  	v0 =	vadd.f32 v0, v1;
	_ =	sdelay $0x1  }
0x191: {  	v0 =	vmax.f32 v0, $1.000000000e-30  }
0x192: {  	v61 =	vshrl.u32 v0, $0x1;
	v62 =	vmul.f32 $5.000000000e-01, v0  }
0x193: {  	v1 =	vsub.s32 $0x5F3759DF, v61  }
0x194: {  	v63 =	vmul.f32 v1, v62;
	_ =	sdelay $0x1  }
0x195: {  	v3 =	vmul.f32 v1, v63;
	_ =	sdelay $0x1  }
0x196: {  	v3 =	vsub.f32 $1.500000000e+00, v3;
	_ =	sdelay $0x1  }
0x197: {  	v1 =	vmul.f32 v1, v3;
	_ =	sdelay $0x1  }
0x198: {  	v3 =	vmul.f32 v1, v62;
	_ =	sdelay $0x1  }
0x199: {  	v3 =	vmul.f32 v3, v1;
	_ =	sdelay $0x1  }
0x19a: {  	v3 =	vsub.f32 $1.500000000e+00, v3;
	_ =	sdelay $0x1  }
0x19b: {  	v1 =	vmul.f32 v3, v1;
	_ =	sdelay $0x1  }
0x19c: {  	v2 =	vmul.f32 v1, v62;
	_ =	sdelay $0x1  }
0x19d: {  	v2 =	vmul.f32 v2, v1;
	_ =	sdelay $0x1  }
0x19e: {  	s19 =	sadd.s32 $0x1, s19;
	v2 =	vsub.f32 $1.500000000e+00, v2  }
0x19f: {  	p1 =	sne.s32 s19, $0x8  }
.Ltmp3:
0x1a0: {  	v1 =	vmul.f32 v2, v1;
	(pc) =	sbr.rel @p1 .LBB2_6-.Ltmp3, $3  }
0x1a1: {  	_ = 	snop  }
0x1a2: {  	v0 =	vmul.f32 v1, v0;
	_ =	sdelay $0x1  }
0x1a3: {  	v34 =	vadd.f32 v0, v34  }
0x1a4: {  	s18 =	sadd.s32 $0x1, s18  }
0x1a5: {  	p1 =	sne.s32 s18, s8  }
.Ltmp4:
0x1a6: {  	[tilespmem:$0x7280] =	vst v34;
	(pc) =	sbr.rel @p1 .LBB2_1-.Ltmp4, $4  }
0x1a7: {  	[hbm4b:s7+s3] =	stream.linear.scatter [tilespmem:s17], [sflag:$0x4], $0x10, $0x38;
	[tilespmem:$0x7620] =	vst v63  }
0x1a8: {  	_ =	swait.ge [sflag:s13], $0x10  }
0x1a9: {  	[sflag:s13] =	ssyncset.done $0x0  }
0x1aa: {  	[sflag:s13] =	ssyncadd.s32 $0xFFFFFFF0  }
0x1ab: {  	_ =	sfence.sel $0x180000  }
0x1ac: {  	[bflag:$0x0] =	sbarrier.arrive $0xFFFF  }
0x1ad: {  	_ =	strace $0x90000047  }
0x1ae: {  	s0 =	sadd.s32 @!p0 $0x100000, s2;
	[bflag:$0x2] =	sbarrier.arrive $0xFFFF  }
0x1af: {  	[sflag:s0] =	ssyncadd.tile.s32 @!p0 $0x1;
	_ =	shalt  }
.Lfunc_end2:
_tile_overlayer_lowered:
.L_overlay_start_2:
0x1b0: {  	(tag) =	ssettag $0x2  }
0x1b1: {  	s0 =	rddreg [dreg:$0x0];
	s2 =	stileid.u32  }
0x1b2: {  	s1 =	rddreg [dreg:$0x1];
	p0 =	sne.s32 s2, $0x0  }
0x1b3: {  	s3 =	rddreg [dreg:$0x2];
	[bflag:$0x3] =	sbarrier.arrive $0xFFFF;
	s2 =	simm.s32 @!p0 $0x1C04  }
0x1b4: {  	[timem:s3], [sflag:s2] =	dma.local @!p0 [hbm:s0], s1  }
0x1b5: {  	s0 =	simm.s32 @!p0 $0x4  }
0x1b6: {  	_ =	swait.ge @!p0 [sflag:s0], s1  }
0x1b7: {  	s1 =	ssub.s32 @!p0 $0x0, s1;
	[sflag:s0] =	ssyncset.done @!p0 $0x0  }
0x1b8: {  	[sflag:s0] =	ssyncadd.s32 @!p0 s1  }
0x1b9: {  	[bflag:$0x3] =	sbarrier.arrive $0xFFFF  }
0x1ba: {  	_ =	shalt  }

</sc_bundles>
